<compile_context>
chip_gen: v7x
topology: tpu7x:2x2x1
jax: 0.10.2.dev20260603
libtpu: 0.0.44.dev20260713+nightly
codegen_flags: <defaults>
</compile_context>

<pallas_src>
import dataclasses
import functools

import jax
import jax.numpy as jnp
import numpy as np
from jax import lax
from jax.experimental import pallas as pl
from jax.experimental.pallas import tpu as pltpu
from jax.experimental.pallas import tpu_sc as plsc

_B, _S, _D, _OUT, _E, _K = 1, 2048, 768, 768, 8, 2
_T = _B * _S
_NP = _T * _K
_TM = 256
_NT = _T // _TM
_TS = 128
_P = _NP + _E * _TS
_NTS = _P // _TS
_NC, _NS = 2, 16
_NW = _NC * _NS


def _sc_compiler_params():
    cp = pltpu.CompilerParams()
    if "needs_layout_passes" in pltpu.CompilerParams.__dataclass_fields__:
        cp = dataclasses.replace(cp, needs_layout_passes=False)
    return cp


def _gate_body(x_ref, wg1_ref, wg2_ref, pos_ref, s1_ref, s2_ref, te_ref,
               logit_scr, carry_scr, astart_scr, lt_scr):
    p = pl.program_id(0)
    t = pl.program_id(1)

    @pl.when((p == 0) & (t == 0))
    def _init():
        carry_scr[...] = jnp.zeros((1, _E), jnp.float32)
        npt = 2 * _TM
        r_row = lax.broadcasted_iota(jnp.int32, (npt, npt), 0)
        r_col = lax.broadcasted_iota(jnp.int32, (npt, npt), 1)
        lt_scr[...] = (r_row > r_col).astype(jnp.bfloat16)

    @pl.when(p == 0)
    def _pass0():
        x = x_ref[...]
        h = jnp.tanh(
            lax.dot_general(x, wg1_ref[...], (((1,), (1,)), ((), ())),
                            preferred_element_type=jnp.float32))
        logits = lax.dot_general(h, wg2_ref[...], (((1,), (1,)), ((), ())),
                                 preferred_element_type=jnp.float32)
        logit_scr[pl.ds(t * _TM, _TM), 0:_E] = logits
        col = lax.broadcasted_iota(jnp.int32, (_TM, _E), 1)
        i1 = jnp.argmax(logits, axis=1)[:, None]
        masked = jnp.where(col == i1, -jnp.inf, logits)
        i2 = jnp.argmax(masked, axis=1)[:, None]
        onehot = jnp.concatenate(
            [(col == i1).astype(jnp.float32), (col == i2).astype(jnp.float32)],
            axis=0)
        carry_scr[...] += jnp.sum(onehot, axis=0, keepdims=True)

    @pl.when((p == 1) & (t == 0))
    def _starts():
        counts = carry_scr[...]
        padded = jnp.floor((counts + (_TS - 1)) / _TS) * _TS
        e_row = lax.broadcasted_iota(jnp.int32, (_E, _E), 0)
        e_col = lax.broadcasted_iota(jnp.int32, (_E, _E), 1)
        ltri = (e_row < e_col).astype(jnp.float32)
        astart = lax.dot_general(padded, ltri, (((1,), (0,)), ((), ())),
                                 preferred_element_type=jnp.float32)
        astart_scr[...] = astart
        carry_scr[...] = jnp.zeros((1, _E), jnp.float32)
        aend = astart + padded
        m_iota = (lax.broadcasted_iota(jnp.int32, (64, _E), 0)
                  .astype(jnp.float32) * _TS)
        te = jnp.sum((m_iota >= jnp.broadcast_to(aend, (64, _E)))
                     .astype(jnp.int32), axis=1)
        te_ref[0, 0, :] = jnp.minimum(te, _E - 1)

    @pl.when(p == 1)
    def _pass1():
        logits = logit_scr[pl.ds(t * _TM, _TM), 0:_E]
        col = lax.broadcasted_iota(jnp.int32, (_TM, _E), 1)
        m1 = jnp.max(logits, axis=1, keepdims=True)
        i1 = jnp.argmax(logits, axis=1)[:, None]
        masked = jnp.where(col == i1, -jnp.inf, logits)
        m2 = jnp.max(masked, axis=1, keepdims=True)
        i2 = jnp.argmax(masked, axis=1)[:, None]
        s1 = 1.0 / (1.0 + jnp.exp(m2 - m1))
        s1_ref[0, 0, :] = s1[:, 0]
        s2_ref[0, 0, :] = 1.0 - s1[:, 0]
        onehot = jnp.concatenate(
            [(col == i1).astype(jnp.float32), (col == i2).astype(jnp.float32)],
            axis=0)
        rank_local = lax.dot_general(
            lt_scr[...], onehot.astype(jnp.bfloat16),
            (((1,), (0,)), ((), ())), preferred_element_type=jnp.float32)
        base = carry_scr[...] + astart_scr[...]
        pos = jnp.sum(onehot * (rank_local + base), axis=1)
        posi = pos.astype(jnp.int32)
        pos_ref[0, 0, :] = posi[:_TM]
        pos_ref[0, 1, :] = posi[_TM:]
        carry_scr[...] += jnp.sum(onehot, axis=0, keepdims=True)


def _run_gate(xf, Wg1, Wg2):
    return pl.pallas_call(
        _gate_body,
        grid=(2, _NT),
        in_specs=[
            pl.BlockSpec((_TM, _D), lambda p, t: (t * (1 - p), 0)),
            pl.BlockSpec((_E, _D), lambda p, t: (0, 0)),
            pl.BlockSpec((_E, _E), lambda p, t: (0, 0)),
        ],
        out_specs=[
            pl.BlockSpec((1, _K, _TM), lambda p, t: (t, 0, 0)),
            pl.BlockSpec((1, 1, _TM), lambda p, t: (t, 0, 0)),
            pl.BlockSpec((1, 1, _TM), lambda p, t: (t, 0, 0)),
            pl.BlockSpec((1, 1, 64), lambda p, t: (0, 0, 0)),
        ],
        out_shape=[
            jax.ShapeDtypeStruct((_NT, _K, _TM), jnp.int32),
            jax.ShapeDtypeStruct((_NT, 1, _TM), jnp.float32),
            jax.ShapeDtypeStruct((_NT, 1, _TM), jnp.float32),
            jax.ShapeDtypeStruct((1, 1, 64), jnp.int32),
        ],
        scratch_shapes=[
            pltpu.VMEM((_T, 128), jnp.float32),
            pltpu.VMEM((1, _E), jnp.float32),
            pltpu.VMEM((1, _E), jnp.float32),
            pltpu.VMEM((2 * _TM, 2 * _TM), jnp.bfloat16),
        ],
    )(xf, Wg1, Wg2)


def _sc_dispatch(xf, pos, tok):
    pairs_per_w = _NP // _NW
    mesh = plsc.VectorSubcoreMesh(core_axis_name="c", subcore_axis_name="s")

    @functools.partial(
        pl.kernel, mesh=mesh,
        out_type=jax.ShapeDtypeStruct((_P, _D), jnp.float32),
        scratch_types=[
            pltpu.VMEM((pairs_per_w,), jnp.int32),
            pltpu.VMEM((pairs_per_w,), jnp.int32),
            pltpu.VMEM((pairs_per_w, _D), jnp.float32),
            pltpu.SemaphoreType.DMA,
        ],
        compiler_params=_sc_compiler_params(),
    )
    def k(x_hbm, pos_hbm, tok_hbm, xs_hbm, pos_v, tok_v, rows_v, sem):
        wid = lax.axis_index("s") * _NC + lax.axis_index("c")
        base = wid * pairs_per_w
        pltpu.sync_copy(pos_hbm.at[pl.ds(base, pairs_per_w)], pos_v)
        pltpu.sync_copy(tok_hbm.at[pl.ds(base, pairs_per_w)], tok_v)
        pltpu.async_copy(x_hbm.at[tok_v], rows_v, sem).wait()
        pltpu.async_copy(rows_v, xs_hbm.at[pos_v], sem).wait()

    return k(xf, pos, tok)


def _mm_body(te_ref, xs_ref, w_ref, b_ref, ys_ref):
    xb = xs_ref[...].astype(jnp.bfloat16)
    ys_ref[...] = lax.dot_general(
        xb, w_ref[0], (((1,), (1,)), ((), ())),
        preferred_element_type=jnp.float32) + b_ref[0]


def _run_grouped_mm(te, Xs, W, b):
    grid_spec = pltpu.PrefetchScalarGridSpec(
        num_scalar_prefetch=1,
        grid=(_NTS,),
        in_specs=[
            pl.BlockSpec((_TS, _D), lambda i, s: (i, 0)),
            pl.BlockSpec((1, _OUT, _D), lambda i, s: (s[i], 0, 0)),
            pl.BlockSpec((1, 1, _OUT), lambda i, s: (s[i], 0, 0)),
        ],
        out_specs=pl.BlockSpec((_TS, _OUT), lambda i, s: (i, 0)),
    )
    return pl.pallas_call(
        _mm_body,
        grid_spec=grid_spec,
        out_shape=jax.ShapeDtypeStruct((_P, _OUT), jnp.float32),
    )(te, Xs, W.astype(jnp.bfloat16), b.reshape(_E, 1, _OUT))


def _sc_combine_gather(Ys, posA, posB):
    toks_per_w = _T // _NW
    mesh = plsc.VectorSubcoreMesh(core_axis_name="c", subcore_axis_name="s")

    @functools.partial(
        pl.kernel, mesh=mesh,
        out_type=[jax.ShapeDtypeStruct((_T, _OUT), jnp.float32),
                  jax.ShapeDtypeStruct((_T, _OUT), jnp.float32)],
        scratch_types=[
            pltpu.VMEM((toks_per_w,), jnp.int32),
            pltpu.VMEM((toks_per_w, _OUT), jnp.float32),
            pltpu.SemaphoreType.DMA,
        ],
        compiler_params=_sc_compiler_params(),
    )
    def k(ys_hbm, pa_hbm, pb_hbm, oa_hbm, ob_hbm, idx_v, rows_v, sem):
        wid = lax.axis_index("s") * _NC + lax.axis_index("c")
        base = wid * toks_per_w
        pltpu.sync_copy(pa_hbm.at[pl.ds(base, toks_per_w)], idx_v)
        pltpu.async_copy(ys_hbm.at[idx_v], rows_v, sem).wait()
        pltpu.sync_copy(rows_v, oa_hbm.at[pl.ds(base, toks_per_w)])
        pltpu.sync_copy(pb_hbm.at[pl.ds(base, toks_per_w)], idx_v)
        pltpu.async_copy(ys_hbm.at[idx_v], rows_v, sem).wait()
        pltpu.sync_copy(rows_v, ob_hbm.at[pl.ds(base, toks_per_w)])

    return k(Ys, posA, posB)


def _comb_body(a_ref, b_ref, s1_ref, s2_ref, y_ref):
    y_ref[...] = s1_ref[...] * a_ref[...] + s2_ref[...] * b_ref[...]


def _run_combine(YsA, YsB, s1c, s2c):
    return pl.pallas_call(
        _comb_body,
        grid=(_NT,),
        in_specs=[
            pl.BlockSpec((_TM, _OUT), lambda i: (i, 0)),
            pl.BlockSpec((_TM, _OUT), lambda i: (i, 0)),
            pl.BlockSpec((_TM, 1), lambda i: (i, 0)),
            pl.BlockSpec((_TM, 1), lambda i: (i, 0)),
        ],
        out_specs=pl.BlockSpec((_TM, _OUT), lambda i: (i, 0)),
        out_shape=jax.ShapeDtypeStruct((_T, _OUT), jnp.float32),
    )(YsA, YsB, s1c, s2c)


def kernel(x, Wg1, Wg2, W, b):
    bs, sl, d = x.shape
    xf = x.reshape(-1, d)
    pos, s1o, s2o, te = _run_gate(xf, Wg1, Wg2)
    pair = np.arange(_NP)
    tok_const = jnp.asarray((pair // (_K * _TM)) * _TM + pair % _TM,
                            dtype=jnp.int32)
    Xs = _sc_dispatch(xf, pos.reshape(_NP), tok_const)
    Ys = _run_grouped_mm(te.reshape(64)[:_NTS], Xs, W, b)
    posA = pos[:, 0, :].reshape(_T)
    posB = pos[:, 1, :].reshape(_T)
    YsA, YsB = _sc_combine_gather(Ys, posA, posB)
    y = _run_combine(YsA, YsB, s1o.reshape(_T, 1), s2o.reshape(_T, 1))
    return y.reshape(bs, sl, _OUT), jnp.float32(-100.0)

# --- scband reference (transcript-rebuilt; emitter-appended) ---
"""Pipeline reference for scband-linear-mo-elayer-45655502356775 (READ-ONLY COPY).

The authoritative reference and input builder live on the scoring server;
editing this copy changes nothing except your own understanding.
"""

import jax, jax.numpy as jnp
import numpy as np

B, S, D, OUT, E, K = 1, 2048, 768, 768, 8, 2


def setup_inputs(seed: int = 0) -> dict:
    key = jax.random.key(seed)
    ks = jax.random.split(key, 5)
    x = jax.random.normal(ks[0], (B, S, D), dtype=jnp.float32)
    # TopKBalancedNoisyGate 'mlp' gate network: Linear(D,E,bias=False) -> Tanh -> Linear(E,E,bias=False)
    Wg1 = jax.random.normal(ks[1], (E, D), dtype=jnp.float32) * (1.0 / np.sqrt(D))
    Wg2 = jax.random.normal(ks[2], (E, E), dtype=jnp.float32) * (1.0 / np.sqrt(E))
    # LinearExperts: weight [E, OUT, D], bias [E, OUT]
    W = jax.random.normal(ks[3], (E, OUT, D), dtype=jnp.float32) * (1.0 / np.sqrt(D))
    b = jax.random.normal(ks[4], (E, OUT), dtype=jnp.float32) * 0.01
    return {"x": x, "Wg1": Wg1, "Wg2": Wg2, "W": W, "b": b}


def reference(x, Wg1, Wg2, W, b):
    bs, sl = x.shape[0], x.shape[1]
    xf = x.reshape(-1, D)
    T = xf.shape[0]
    # --- gate (eval mode: no noise injection, no balance loss) ---
    h = jnp.tanh(xf @ Wg1.T)
    logits = h @ Wg2.T  # [T, E]
    m = min(K + 1, E)
    top_logits, top_idx = jax.lax.top_k(logits, m)
    tk_logits = top_logits[:, :K]
    tk_idx = top_idx[:, :K]
    tk_scores = jax.nn.softmax(tk_logits.astype(jnp.float32), axis=-1).astype(logits.dtype)
    # --- UniversalCalculator: dispatch to experts, weight by gate scores, combine ---
    # Mathematically equivalent to the sort/split/index_add dispatch:
    # y_t = sum_k score_{t,k} * (x_t @ W[e_{t,k}].T + b[e_{t,k}])
    expert_out = jnp.einsum('td,eod->teo', xf, W) + b[None, :, :]  # [T, E, OUT]
    combine = jnp.zeros((T, E), dtype=xf.dtype).at[jnp.arange(T)[:, None], tk_idx].add(tk_scores)
    y = jnp.einsum('te,teo->to', combine, expert_out)
    y = y.reshape(bs, sl, OUT)
    gate_loss = jnp.float32(-100.0)  # eval-mode constant in TopKBalancedNoisyGate
    return y, gate_loss

if __name__ == "__main__":
    import jax
    _d = setup_inputs()
    print(jax.jit(kernel)(*tuple(_d.values())))

</pallas_src>

<mosaic_0001>
#map = affine_map<(d0, d1) -> (0, 0)>
#map1 = affine_map<(d0, d1) -> (0)>
module attributes {stable_mosaic.version = 14 : i64} {
  func.func @k(%arg0: i32, %arg1: i32, %arg2: memref<2048x768xf32, #tpu.memory_space<hbm>>, %arg3: memref<4096xi32, #tpu.memory_space<hbm>>, %arg4: memref<4096xi32, #tpu.memory_space<hbm>>, %arg5: memref<5120x768xf32, #tpu.memory_space<hbm>>, %arg6: memref<128xi32, #tpu.memory_space<vmem>>, %arg7: memref<128xi32, #tpu.memory_space<vmem>>, %arg8: memref<128x768xf32, #tpu.memory_space<vmem>>, %arg9: memref<!tpu.dma_semaphore, #tpu.memory_space<semaphore_mem>>) attributes {dimension_semantics = [#tpu.dimension_semantics<core_parallel>, #tpu.dimension_semantics<subcore_parallel>], iteration_bounds = array<i64: 2, 16>, scalar_prefetch = 0 : i64, scratch_operands = 4 : i64, tpu.core_type = #tpu.core_type<sc_vector_subcore>, window_params = [{transform_indices = #map}, {transform_indices = #map1}, {transform_indices = #map1}, {transform_indices = #map}]} {
    %mul3A = arith.constant 2 : i32
    %mul3A_0 = arith.muli %arg1, %mul3A : i32
    %add3A = arith.addi %mul3A_0, %arg0 : i32
    %mul3A_1 = arith.constant 128 : i32
    %mul3A_2 = arith.muli %add3A, %mul3A_1 : i32
    "tpu.region"() ({
      %run_scoped3A = tpu.sem_alloc : memref<!tpu.dma_semaphore, #tpu.memory_space<semaphore_mem>>
      %dma_start3A_13 = tpu.memref_slice %arg3[%mul3A_2] : memref<4096xi32, #tpu.memory_space<hbm>> -> memref<128xi32, #tpu.memory_space<hbm>>
      %dma_start3A_14 = tpu.memref_slice %arg3[%mul3A_2] : memref<4096xi32, #tpu.memory_space<hbm>> -> memref<128xi32, #tpu.memory_space<hbm>>
      tpu.enqueue_dma source(%dma_start3A_14 : memref<128xi32, #tpu.memory_space<hbm>>) target(%arg6 : memref<128xi32, #tpu.memory_space<vmem>>) target_semaphore(%run_scoped3A : memref<!tpu.dma_semaphore, #tpu.memory_space<semaphore_mem>>)
      %dma_wait3A_15 = tpu.memref_slice %arg3[%mul3A_2] : memref<4096xi32, #tpu.memory_space<hbm>> -> memref<128xi32, #tpu.memory_space<hbm>>
      %dma_wait3A_16 = tpu.memref_slice %arg3[%mul3A_2] : memref<4096xi32, #tpu.memory_space<hbm>> -> memref<128xi32, #tpu.memory_space<hbm>>
      tpu.wait_dma2 semaphore(%run_scoped3A : memref<!tpu.dma_semaphore, #tpu.memory_space<semaphore_mem>>) src(%dma_wait3A_16 : memref<128xi32, #tpu.memory_space<hbm>>) dst(%arg6 : memref<128xi32, #tpu.memory_space<vmem>>)
      tpu.yield
    }) : () -> ()
    "tpu.region"() ({
      %run_scoped3A = tpu.sem_alloc : memref<!tpu.dma_semaphore, #tpu.memory_space<semaphore_mem>>
      %dma_start3A_13 = tpu.memref_slice %arg4[%mul3A_2] : memref<4096xi32, #tpu.memory_space<hbm>> -> memref<128xi32, #tpu.memory_space<hbm>>
      %dma_start3A_14 = tpu.memref_slice %arg4[%mul3A_2] : memref<4096xi32, #tpu.memory_space<hbm>> -> memref<128xi32, #tpu.memory_space<hbm>>
      tpu.enqueue_dma source(%dma_start3A_14 : memref<128xi32, #tpu.memory_space<hbm>>) target(%arg7 : memref<128xi32, #tpu.memory_space<vmem>>) target_semaphore(%run_scoped3A : memref<!tpu.dma_semaphore, #tpu.memory_space<semaphore_mem>>)
      %dma_wait3A_15 = tpu.memref_slice %arg4[%mul3A_2] : memref<4096xi32, #tpu.memory_space<hbm>> -> memref<128xi32, #tpu.memory_space<hbm>>
      %dma_wait3A_16 = tpu.memref_slice %arg4[%mul3A_2] : memref<4096xi32, #tpu.memory_space<hbm>> -> memref<128xi32, #tpu.memory_space<hbm>>
      tpu.wait_dma2 semaphore(%run_scoped3A : memref<!tpu.dma_semaphore, #tpu.memory_space<semaphore_mem>>) src(%dma_wait3A_16 : memref<128xi32, #tpu.memory_space<hbm>>) dst(%arg7 : memref<128xi32, #tpu.memory_space<vmem>>)
      tpu.yield
    }) : () -> ()
    %dma_start3A = arith.constant 0 : i32
    %dma_start3A_3 = arith.constant 0 : i32
    %dma_start3A_4 = tpu.memref_slice %arg2[%dma_start3A, %dma_start3A_3] : memref<2048x768xf32, #tpu.memory_space<hbm>> -> memref<2048x768xf32, #tpu.memory_space<hbm>>
    tpu.enqueue_indirect_dma source(%dma_start3A_4 : memref<2048x768xf32, #tpu.memory_space<hbm>>) target(%arg8 : memref<128x768xf32, #tpu.memory_space<vmem>>) offsets(%arg7 : memref<128xi32, #tpu.memory_space<vmem>>) semaphore(%arg9 : memref<!tpu.dma_semaphore, #tpu.memory_space<semaphore_mem>>)
    %dma_wait3A = arith.constant 0 : i32
    %dma_wait3A_5 = arith.constant 0 : i32
    %dma_wait3A_6 = tpu.memref_slice %arg2[%dma_wait3A, %dma_wait3A_5] : memref<2048x768xf32, #tpu.memory_space<hbm>> -> memref<2048x768xf32, #tpu.memory_space<hbm>>
    tpu.wait_indirect_dma semaphore(%arg9 : memref<!tpu.dma_semaphore, #tpu.memory_space<semaphore_mem>>) src(%dma_wait3A_6 : memref<2048x768xf32, #tpu.memory_space<hbm>>) dst(%arg8 : memref<128x768xf32, #tpu.memory_space<vmem>>)
    %dma_start3A_7 = arith.constant 0 : i32
    %dma_start3A_8 = arith.constant 0 : i32
    %dma_start3A_9 = tpu.memref_slice %arg5[%dma_start3A_7, %dma_start3A_8] : memref<5120x768xf32, #tpu.memory_space<hbm>> -> memref<5120x768xf32, #tpu.memory_space<hbm>>
    tpu.enqueue_indirect_dma source(%arg8 : memref<128x768xf32, #tpu.memory_space<vmem>>) target(%dma_start3A_9 : memref<5120x768xf32, #tpu.memory_space<hbm>>) offsets(%arg6 : memref<128xi32, #tpu.memory_space<vmem>>) semaphore(%arg9 : memref<!tpu.dma_semaphore, #tpu.memory_space<semaphore_mem>>)
    %dma_wait3A_10 = arith.constant 0 : i32
    %dma_wait3A_11 = arith.constant 0 : i32
    %dma_wait3A_12 = tpu.memref_slice %arg5[%dma_wait3A_10, %dma_wait3A_11] : memref<5120x768xf32, #tpu.memory_space<hbm>> -> memref<5120x768xf32, #tpu.memory_space<hbm>>
    tpu.wait_indirect_dma semaphore(%arg9 : memref<!tpu.dma_semaphore, #tpu.memory_space<semaphore_mem>>) src(%arg8 : memref<128x768xf32, #tpu.memory_space<vmem>>) dst(%dma_wait3A_12 : memref<5120x768xf32, #tpu.memory_space<hbm>>)
    return
  }
}

#map = affine_map<(d0, d1) -> (0, 0)>
#map1 = affine_map<(d0, d1) -> (0)>
module attributes {stable_mosaic.version = 14 : i64} {
  func.func @k(%arg0: i32, %arg1: i32, %arg2: memref<5120x768xf32, #tpu.memory_space<hbm>>, %arg3: memref<2048xi32, #tpu.memory_space<hbm>>, %arg4: memref<2048xi32, #tpu.memory_space<hbm>>, %arg5: memref<2048x768xf32, #tpu.memory_space<hbm>>, %arg6: memref<2048x768xf32, #tpu.memory_space<hbm>>, %arg7: memref<64xi32, #tpu.memory_space<vmem>>, %arg8: memref<64x768xf32, #tpu.memory_space<vmem>>, %arg9: memref<!tpu.dma_semaphore, #tpu.memory_space<semaphore_mem>>) attributes {dimension_semantics = [#tpu.dimension_semantics<core_parallel>, #tpu.dimension_semantics<subcore_parallel>], iteration_bounds = array<i64: 2, 16>, scalar_prefetch = 0 : i64, scratch_operands = 3 : i64, tpu.core_type = #tpu.core_type<sc_vector_subcore>, window_params = [{transform_indices = #map}, {transform_indices = #map1}, {transform_indices = #map1}, {transform_indices = #map}, {transform_indices = #map}]} {
    %mul3A = arith.constant 2 : i32
    %mul3A_0 = arith.muli %arg1, %mul3A : i32
    %add3A = arith.addi %mul3A_0, %arg0 : i32
    %mul3A_1 = arith.constant 64 : i32
    %mul3A_2 = arith.muli %add3A, %mul3A_1 : i32
    "tpu.region"() ({
      %run_scoped3A = tpu.sem_alloc : memref<!tpu.dma_semaphore, #tpu.memory_space<semaphore_mem>>
      %dma_start3A_13 = tpu.memref_slice %arg3[%mul3A_2] : memref<2048xi32, #tpu.memory_space<hbm>> -> memref<64xi32, #tpu.memory_space<hbm>>
      %dma_start3A_14 = tpu.memref_slice %arg3[%mul3A_2] : memref<2048xi32, #tpu.memory_space<hbm>> -> memref<64xi32, #tpu.memory_space<hbm>>
      tpu.enqueue_dma source(%dma_start3A_14 : memref<64xi32, #tpu.memory_space<hbm>>) target(%arg7 : memref<64xi32, #tpu.memory_space<vmem>>) target_semaphore(%run_scoped3A : memref<!tpu.dma_semaphore, #tpu.memory_space<semaphore_mem>>)
      %dma_wait3A_15 = tpu.memref_slice %arg3[%mul3A_2] : memref<2048xi32, #tpu.memory_space<hbm>> -> memref<64xi32, #tpu.memory_space<hbm>>
      %dma_wait3A_16 = tpu.memref_slice %arg3[%mul3A_2] : memref<2048xi32, #tpu.memory_space<hbm>> -> memref<64xi32, #tpu.memory_space<hbm>>
      tpu.wait_dma2 semaphore(%run_scoped3A : memref<!tpu.dma_semaphore, #tpu.memory_space<semaphore_mem>>) src(%dma_wait3A_16 : memref<64xi32, #tpu.memory_space<hbm>>) dst(%arg7 : memref<64xi32, #tpu.memory_space<vmem>>)
      tpu.yield
    }) : () -> ()
    %dma_start3A = arith.constant 0 : i32
    %dma_start3A_3 = arith.constant 0 : i32
    %dma_start3A_4 = tpu.memref_slice %arg2[%dma_start3A, %dma_start3A_3] : memref<5120x768xf32, #tpu.memory_space<hbm>> -> memref<5120x768xf32, #tpu.memory_space<hbm>>
    tpu.enqueue_indirect_dma source(%dma_start3A_4 : memref<5120x768xf32, #tpu.memory_space<hbm>>) target(%arg8 : memref<64x768xf32, #tpu.memory_space<vmem>>) offsets(%arg7 : memref<64xi32, #tpu.memory_space<vmem>>) semaphore(%arg9 : memref<!tpu.dma_semaphore, #tpu.memory_space<semaphore_mem>>)
    %dma_wait3A = arith.constant 0 : i32
    %dma_wait3A_5 = arith.constant 0 : i32
    %dma_wait3A_6 = tpu.memref_slice %arg2[%dma_wait3A, %dma_wait3A_5] : memref<5120x768xf32, #tpu.memory_space<hbm>> -> memref<5120x768xf32, #tpu.memory_space<hbm>>
    tpu.wait_indirect_dma semaphore(%arg9 : memref<!tpu.dma_semaphore, #tpu.memory_space<semaphore_mem>>) src(%dma_wait3A_6 : memref<5120x768xf32, #tpu.memory_space<hbm>>) dst(%arg8 : memref<64x768xf32, #tpu.memory_space<vmem>>)
    "tpu.region"() ({
      %run_scoped3A = tpu.sem_alloc : memref<!tpu.dma_semaphore, #tpu.memory_space<semaphore_mem>>
      %dma_start3A_13 = arith.constant 0 : i32
      %dma_start3A_14 = tpu.memref_slice %arg5[%mul3A_2, %dma_start3A_13] : memref<2048x768xf32, #tpu.memory_space<hbm>> -> memref<64x768xf32, #tpu.memory_space<hbm>>
      %dma_start3A_15 = arith.constant 0 : i32
      %dma_start3A_16 = tpu.memref_slice %arg5[%mul3A_2, %dma_start3A_15] : memref<2048x768xf32, #tpu.memory_space<hbm>> -> memref<64x768xf32, #tpu.memory_space<hbm>>
      tpu.enqueue_dma source(%arg8 : memref<64x768xf32, #tpu.memory_space<vmem>>) target(%dma_start3A_16 : memref<64x768xf32, #tpu.memory_space<hbm>>) target_semaphore(%run_scoped3A : memref<!tpu.dma_semaphore, #tpu.memory_space<semaphore_mem>>)
      %dma_wait3A_17 = arith.constant 0 : i32
      %dma_wait3A_18 = tpu.memref_slice %arg5[%mul3A_2, %dma_wait3A_17] : memref<2048x768xf32, #tpu.memory_space<hbm>> -> memref<64x768xf32, #tpu.memory_space<hbm>>
      %dma_wait3A_19 = arith.constant 0 : i32
      %dma_wait3A_20 = tpu.memref_slice %arg5[%mul3A_2, %dma_wait3A_19] : memref<2048x768xf32, #tpu.memory_space<hbm>> -> memref<64x768xf32, #tpu.memory_space<hbm>>
      tpu.wait_dma2 semaphore(%run_scoped3A : memref<!tpu.dma_semaphore, #tpu.memory_space<semaphore_mem>>) src(%arg8 : memref<64x768xf32, #tpu.memory_space<vmem>>) dst(%dma_wait3A_20 : memref<64x768xf32, #tpu.memory_space<hbm>>)
      tpu.yield
    }) : () -> ()
    "tpu.region"() ({
      %run_scoped3A = tpu.sem_alloc : memref<!tpu.dma_semaphore, #tpu.memory_space<semaphore_mem>>
      %dma_start3A_13 = tpu.memref_slice %arg4[%mul3A_2] : memref<2048xi32, #tpu.memory_space<hbm>> -> memref<64xi32, #tpu.memory_space<hbm>>
      %dma_start3A_14 = tpu.memref_slice %arg4[%mul3A_2] : memref<2048xi32, #tpu.memory_space<hbm>> -> memref<64xi32, #tpu.memory_space<hbm>>
      tpu.enqueue_dma source(%dma_start3A_14 : memref<64xi32, #tpu.memory_space<hbm>>) target(%arg7 : memref<64xi32, #tpu.memory_space<vmem>>) target_semaphore(%run_scoped3A : memref<!tpu.dma_semaphore, #tpu.memory_space<semaphore_mem>>)
      %dma_wait3A_15 = tpu.memref_slice %arg4[%mul3A_2] : memref<2048xi32, #tpu.memory_space<hbm>> -> memref<64xi32, #tpu.memory_space<hbm>>
      %dma_wait3A_16 = tpu.memref_slice %arg4[%mul3A_2] : memref<2048xi32, #tpu.memory_space<hbm>> -> memref<64xi32, #tpu.memory_space<hbm>>
      tpu.wait_dma2 semaphore(%run_scoped3A : memref<!tpu.dma_semaphore, #tpu.memory_space<semaphore_mem>>) src(%dma_wait3A_16 : memref<64xi32, #tpu.memory_space<hbm>>) dst(%arg7 : memref<64xi32, #tpu.memory_space<vmem>>)
      tpu.yield
    }) : () -> ()
    %dma_start3A_7 = arith.constant 0 : i32
    %dma_start3A_8 = arith.constant 0 : i32
    %dma_start3A_9 = tpu.memref_slice %arg2[%dma_start3A_7, %dma_start3A_8] : memref<5120x768xf32, #tpu.memory_space<hbm>> -> memref<5120x768xf32, #tpu.memory_space<hbm>>
    tpu.enqueue_indirect_dma source(%dma_start3A_9 : memref<5120x768xf32, #tpu.memory_space<hbm>>) target(%arg8 : memref<64x768xf32, #tpu.memory_space<vmem>>) offsets(%arg7 : memref<64xi32, #tpu.memory_space<vmem>>) semaphore(%arg9 : memref<!tpu.dma_semaphore, #tpu.memory_space<semaphore_mem>>)
    %dma_wait3A_10 = arith.constant 0 : i32
    %dma_wait3A_11 = arith.constant 0 : i32
    %dma_wait3A_12 = tpu.memref_slice %arg2[%dma_wait3A_10, %dma_wait3A_11] : memref<5120x768xf32, #tpu.memory_space<hbm>> -> memref<5120x768xf32, #tpu.memory_space<hbm>>
    tpu.wait_indirect_dma semaphore(%arg9 : memref<!tpu.dma_semaphore, #tpu.memory_space<semaphore_mem>>) src(%dma_wait3A_12 : memref<5120x768xf32, #tpu.memory_space<hbm>>) dst(%arg8 : memref<64x768xf32, #tpu.memory_space<vmem>>)
    "tpu.region"() ({
      %run_scoped3A = tpu.sem_alloc : memref<!tpu.dma_semaphore, #tpu.memory_space<semaphore_mem>>
      %dma_start3A_13 = arith.constant 0 : i32
      %dma_start3A_14 = tpu.memref_slice %arg6[%mul3A_2, %dma_start3A_13] : memref<2048x768xf32, #tpu.memory_space<hbm>> -> memref<64x768xf32, #tpu.memory_space<hbm>>
      %dma_start3A_15 = arith.constant 0 : i32
      %dma_start3A_16 = tpu.memref_slice %arg6[%mul3A_2, %dma_start3A_15] : memref<2048x768xf32, #tpu.memory_space<hbm>> -> memref<64x768xf32, #tpu.memory_space<hbm>>
      tpu.enqueue_dma source(%arg8 : memref<64x768xf32, #tpu.memory_space<vmem>>) target(%dma_start3A_16 : memref<64x768xf32, #tpu.memory_space<hbm>>) target_semaphore(%run_scoped3A : memref<!tpu.dma_semaphore, #tpu.memory_space<semaphore_mem>>)
      %dma_wait3A_17 = arith.constant 0 : i32
      %dma_wait3A_18 = tpu.memref_slice %arg6[%mul3A_2, %dma_wait3A_17] : memref<2048x768xf32, #tpu.memory_space<hbm>> -> memref<64x768xf32, #tpu.memory_space<hbm>>
      %dma_wait3A_19 = arith.constant 0 : i32
      %dma_wait3A_20 = tpu.memref_slice %arg6[%mul3A_2, %dma_wait3A_19] : memref<2048x768xf32, #tpu.memory_space<hbm>> -> memref<64x768xf32, #tpu.memory_space<hbm>>
      tpu.wait_dma2 semaphore(%run_scoped3A : memref<!tpu.dma_semaphore, #tpu.memory_space<semaphore_mem>>) src(%arg8 : memref<64x768xf32, #tpu.memory_space<vmem>>) dst(%dma_wait3A_20 : memref<64x768xf32, #tpu.memory_space<hbm>>)
      tpu.yield
    }) : () -> ()
    return
  }
}

module attributes {stable_mosaic.version = 14 : i64} {
  func.func @_mm_body(%arg0: i32, %arg1: memref<40xi32, #tpu.memory_space<smem>>, %arg2: memref<128x768xf32, #tpu.memory_space<vmem>>, %arg3: memref<1x768x768xbf16, #tpu.memory_space<vmem>>, %arg4: memref<1x1x768xf32, #tpu.memory_space<vmem>>, %arg5: memref<128x768xf32, #tpu.memory_space<vmem>>) attributes {dimension_semantics = [#tpu.dimension_semantics<arbitrary>], iteration_bounds = array<i64: 40>, scalar_prefetch = 1 : i64, scratch_operands = 0 : i64, tpu.core_type = #tpu.core_type<tc>, window_params = [{transform_indices = @transform_0, window_bounds = array<i64: 128, 768>}, {transform_indices = @transform_1, window_bounds = array<i64: 1, 768, 768>}, {transform_indices = @transform_2, window_bounds = array<i64: 1, 1, 768>}, {transform_indices = @transform_3, window_bounds = array<i64: 128, 768>}]} {
    %get3A = arith.constant 0 : index
    %get3A_0 = arith.constant 0 : index
    %get3A_1 = vector.load %arg2[%get3A, %get3A_0] : memref<128x768xf32, #tpu.memory_space<vmem>>, vector<128x768xf32>
    %convert_element_type3A = arith.truncf %get3A_1 : vector<128x768xf32> to vector<128x768xbf16>
    %get3A_2 = arith.constant 0 : index
    %get3A_3 = arith.constant 0 : index
    %get3A_4 = arith.constant 0 : index
    %get3A_5 = vector.load %arg3[%get3A_2, %get3A_3, %get3A_4] : memref<1x768x768xbf16, #tpu.memory_space<vmem>>, vector<1x768x768xbf16>
    %get3A_6 = vector.shape_cast %get3A_5 : vector<1x768x768xbf16> to vector<768x768xbf16>
    %dot_general3A = arith.constant dense<0.000000e+00> : vector<128x768xf32>
    %dot_general3A_7 = tpu.matmul %convert_element_type3A, %get3A_6, %dot_general3A {dimension_numbers = #tpu.dot_dimension_numbers<[1], [1], [0], [0], [0, 0, 1, 0], [], []>, transpose_lhs_hint = false} : vector<128x768xbf16>, vector<768x768xbf16>, vector<128x768xf32> -> vector<128x768xf32>
    %get3A_8 = arith.constant 0 : index
    %get3A_9 = arith.constant 0 : index
    %get3A_10 = arith.constant 0 : index
    %get3A_11 = vector.load %arg4[%get3A_8, %get3A_9, %get3A_10] : memref<1x1x768xf32, #tpu.memory_space<vmem>>, vector<1x1x768xf32>
    %get3A_12 = vector.shape_cast %get3A_11 : vector<1x1x768xf32> to vector<1x768xf32>
    %add3A = vector.broadcast %get3A_12 : vector<1x768xf32> to vector<128x768xf32>
    %add3A_13 = arith.addf %dot_general3A_7, %add3A : vector<128x768xf32>
    %swap3A = arith.constant 0 : index
    %swap3A_14 = arith.constant 0 : index
    %swap3A_15 = vector.load %arg5[%swap3A, %swap3A_14] : memref<128x768xf32, #tpu.memory_space<vmem>>, vector<128x768xf32>
    tpu.vector_store %arg5[%swap3A, %swap3A_14], %add3A_13 {strides = array<i32>} : memref<128x768xf32, #tpu.memory_space<vmem>>, vector<128x768xf32>,
    return
  }
  func.func @transform_0(%arg0: i32, %arg1: memref<40xi32, #tpu.memory_space<smem>>) -> (i32, i32) {
    %c0_i32 = arith.constant 0 : i32
    %c0_i32_0 = arith.constant 0 : i32
    return %arg0, %c0_i32 : i32, i32
  }
  func.func @transform_1(%arg0: i32, %arg1: memref<40xi32, #tpu.memory_space<smem>>) -> (i32, i32, i32) {
    %get3A = arith.index_cast %arg0 : i32 to index
    %get3A_0 = memref.load %arg1[%get3A] : memref<40xi32, #tpu.memory_space<smem>>
    %c0_i32 = arith.constant 0 : i32
    %c0_i32_1 = arith.constant 0 : i32
    %c0_i32_2 = arith.constant 0 : i32
    return %get3A_0, %c0_i32, %c0_i32_1 : i32, i32, i32
  }
  func.func @transform_2(%arg0: i32, %arg1: memref<40xi32, #tpu.memory_space<smem>>) -> (i32, i32, i32) {
    %get3A = arith.index_cast %arg0 : i32 to index
    %get3A_0 = memref.load %arg1[%get3A] : memref<40xi32, #tpu.memory_space<smem>>
    %c0_i32 = arith.constant 0 : i32
    %c0_i32_1 = arith.constant 0 : i32
    %c0_i32_2 = arith.constant 0 : i32
    return %get3A_0, %c0_i32, %c0_i32_1 : i32, i32, i32
  }
  func.func @transform_3(%arg0: i32, %arg1: memref<40xi32, #tpu.memory_space<smem>>) -> (i32, i32) {
    %c0_i32 = arith.constant 0 : i32
    %c0_i32_0 = arith.constant 0 : i32
    return %arg0, %c0_i32 : i32, i32
  }
}

module attributes {stable_mosaic.version = 14 : i64} {
  func.func @_gate_body(%arg0: i32, %arg1: i32, %arg2: memref<256x768xf32, #tpu.memory_space<vmem>>, %arg3: memref<8x768xf32, #tpu.memory_space<vmem>>, %arg4: memref<8x8xf32, #tpu.memory_space<vmem>>, %arg5: memref<1x2x256xi32, #tpu.memory_space<vmem>>, %arg6: memref<1x1x256xf32, #tpu.memory_space<vmem>>, %arg7: memref<1x1x256xf32, #tpu.memory_space<vmem>>, %arg8: memref<1x1x64xi32, #tpu.memory_space<vmem>>, %arg9: memref<2048x128xf32, #tpu.memory_space<vmem>>, %arg10: memref<1x8xf32, #tpu.memory_space<vmem>>, %arg11: memref<1x8xf32, #tpu.memory_space<vmem>>, %arg12: memref<512x512xbf16, #tpu.memory_space<vmem>>) attributes {dimension_semantics = [#tpu.dimension_semantics<arbitrary>, #tpu.dimension_semantics<arbitrary>], iteration_bounds = array<i64: 2, 8>, scalar_prefetch = 0 : i64, scratch_operands = 4 : i64, tpu.core_type = #tpu.core_type<tc>, window_params = [{transform_indices = @transform_0, window_bounds = array<i64: 256, 768>}, {pipeline_mode = #tpu.pipeline_mode<synchronous>, transform_indices = @transform_1, window_bounds = array<i64: 8, 768>}, {pipeline_mode = #tpu.pipeline_mode<synchronous>, transform_indices = @transform_2, window_bounds = array<i64: 8, 8>}, {transform_indices = @transform_3, window_bounds = array<i64: 1, 2, 256>}, {transform_indices = @transform_4, window_bounds = array<i64: 1, 1, 256>}, {transform_indices = @transform_5, window_bounds = array<i64: 1, 1, 256>}, {pipeline_mode = #tpu.pipeline_mode<synchronous>, transform_indices = @transform_6, window_bounds = array<i64: 1, 1, 64>}]} {
    %eq3A = arith.constant 0 : i32
    %eq3A_0 = arith.cmpi eq, %arg0, %eq3A : i32
    %eq3A_1 = arith.constant 0 : i32
    %eq3A_2 = arith.cmpi eq, %arg1, %eq3A_1 : i32
    %and3A = arith.andi %eq3A_0, %eq3A_2 : i1
    %convert_element_type3A = arith.extui %and3A : i1 to i32
    %cond3A = arith.constant 0 : i32
    %cond3A_3 = arith.cmpi ne, %convert_element_type3A, %cond3A : i32
    scf.if %cond3A_3 {
      %broadcast_in_dim3A = arith.constant 0.000000e+00 : f32
      %broadcast_in_dim3A_22 = vector.broadcast %broadcast_in_dim3A : f32 to vector<1x8xf32>
      %swap3A = arith.constant 0 : index
      %swap3A_23 = arith.constant 0 : index
      %swap3A_24 = vector.load %arg10[%swap3A, %swap3A_23] : memref<1x8xf32, #tpu.memory_space<vmem>>, vector<1x8xf32>
      tpu.vector_store %arg10[%swap3A, %swap3A_23], %broadcast_in_dim3A_22 {strides = array<i32>} : memref<1x8xf32, #tpu.memory_space<vmem>>, vector<1x8xf32>,
      %iota3A = tpu.iota {dimensions = array<i32: 0>} : vector<512x512xi32>
      %iota3A_25 = tpu.iota {dimensions = array<i32: 1>} : vector<512x512xi32>
      %gt3A = arith.cmpi sgt, %iota3A, %iota3A_25 : vector<512x512xi32>
      %convert_element_type3A_26 = arith.extui %gt3A : vector<512x512xi1> to vector<512x512xi32>
      %convert_element_type3A_27 = arith.sitofp %convert_element_type3A_26 : vector<512x512xi32> to vector<512x512xf32>
      %convert_element_type3A_28 = arith.truncf %convert_element_type3A_27 : vector<512x512xf32> to vector<512x512xbf16>
      %swap3A_29 = arith.constant 0 : index
      %swap3A_30 = arith.constant 0 : index
      %swap3A_31 = vector.load %arg12[%swap3A_29, %swap3A_30] : memref<512x512xbf16, #tpu.memory_space<vmem>>, vector<512x512xbf16>
      tpu.vector_store %arg12[%swap3A_29, %swap3A_30], %convert_element_type3A_28 {strides = array<i32>} : memref<512x512xbf16, #tpu.memory_space<vmem>>, vector<512x512xbf16>,
    } else {
    }
    %eq3A_4 = arith.constant 0 : i32
    %eq3A_5 = arith.cmpi eq, %arg0, %eq3A_4 : i32
    %convert_element_type3A_6 = arith.extui %eq3A_5 : i1 to i32
    %cond3A_7 = arith.constant 0 : i32
    %cond3A_8 = arith.cmpi ne, %convert_element_type3A_6, %cond3A_7 : i32
    scf.if %cond3A_8 {
      %get3A = arith.constant 0 : index
      %get3A_22 = arith.constant 0 : index
      %get3A_23 = vector.load %arg2[%get3A, %get3A_22] : memref<256x768xf32, #tpu.memory_space<vmem>>, vector<256x768xf32>
      %get3A_24 = arith.constant 0 : index
      %get3A_25 = arith.constant 0 : index
      %get3A_26 = vector.load %arg3[%get3A_24, %get3A_25] : memref<8x768xf32, #tpu.memory_space<vmem>>, vector<8x768xf32>
      %dot_general3A = arith.constant dense<0.000000e+00> : vector<256x8xf32>
      %dot_general3A_27 = tpu.matmul %get3A_23, %get3A_26, %dot_general3A {dimension_numbers = #tpu.dot_dimension_numbers<[1], [1], [0], [0], [0, 0, 1, 0], [], []>, transpose_lhs_hint = false} : vector<256x768xf32>, vector<8x768xf32>, vector<256x8xf32> -> vector<256x8xf32>
      %tanh3A = math.tanh %dot_general3A_27 : vector<256x8xf32>
      %get3A_28 = arith.constant 0 : index
      %get3A_29 = arith.constant 0 : index
      %get3A_30 = vector.load %arg4[%get3A_28, %get3A_29] : memref<8x8xf32, #tpu.memory_space<vmem>>, vector<8x8xf32>
      %dot_general3A_31 = arith.constant dense<0.000000e+00> : vector<256x8xf32>
      %dot_general3A_32 = tpu.matmul %tanh3A, %get3A_30, %dot_general3A_31 {dimension_numbers = #tpu.dot_dimension_numbers<[1], [1], [0], [0], [0, 0, 1, 0], [], []>, transpose_lhs_hint = false} : vector<256x8xf32>, vector<8x8xf32>, vector<256x8xf32> -> vector<256x8xf32>
      %mul3A = arith.constant 256 : i32
      %mul3A_33 = arith.muli %arg1, %mul3A : i32
      %swap3A = arith.index_cast %mul3A_33 : i32 to index
      %swap3A_34 = arith.constant 0 : index
      %swap3A_35 = vector.load %arg9[%swap3A, %swap3A_34] : memref<2048x128xf32, #tpu.memory_space<vmem>>, vector<256x8xf32>
      tpu.vector_store %arg9[%swap3A, %swap3A_34], %dot_general3A_32 {strides = array<i32>} : memref<2048x128xf32, #tpu.memory_space<vmem>>, vector<256x8xf32>,
      %iota3A = tpu.iota {dimensions = array<i32: 1>} : vector<256x8xi32>
      %argmax3A = tpu.reduce_index %dot_general3A_32 {axis = 1 : i32, kind = #tpu.reduction_kind<arg_max>} : vector<256x8xf32> -> vector<256xi32>
      %broadcast_in_dim3A = vector.shape_cast %argmax3A : vector<256xi32> to vector<256x1xi32>
      %eq3A_36 = vector.broadcast %broadcast_in_dim3A : vector<256x1xi32> to vector<256x8xi32>
      %eq3A_37 = arith.cmpi eq, %iota3A, %eq3A_36 : vector<256x8xi32>
      %jit3A = arith.constant 0xFF800000 : f32
      %broadcast_in_dim3A_38 = vector.broadcast %jit3A : f32 to vector<256x8xf32>
      %select_n3A = arith.select %eq3A_37, %broadcast_in_dim3A_38, %dot_general3A_32 : vector<256x8xi1>, vector<256x8xf32>
      %argmax3A_39 = tpu.reduce_index %select_n3A {axis = 1 : i32, kind = #tpu.reduction_kind<arg_max>} : vector<256x8xf32> -> vector<256xi32>
      %broadcast_in_dim3A_40 = vector.shape_cast %argmax3A_39 : vector<256xi32> to vector<256x1xi32>
      %eq3A_41 = vector.broadcast %broadcast_in_dim3A : vector<256x1xi32> to vector<256x8xi32>
      %eq3A_42 = arith.cmpi eq, %iota3A, %eq3A_41 : vector<256x8xi32>
      %convert_element_type3A_43 = arith.extui %eq3A_42 : vector<256x8xi1> to vector<256x8xi32>
      %convert_element_type3A_44 = arith.sitofp %convert_element_type3A_43 : vector<256x8xi32> to vector<256x8xf32>
      %eq3A_45 = vector.broadcast %broadcast_in_dim3A_40 : vector<256x1xi32> to vector<256x8xi32>
      %eq3A_46 = arith.cmpi eq, %iota3A, %eq3A_45 : vector<256x8xi32>
      %convert_element_type3A_47 = arith.extui %eq3A_46 : vector<256x8xi1> to vector<256x8xi32>
      %convert_element_type3A_48 = arith.sitofp %convert_element_type3A_47 : vector<256x8xi32> to vector<256x8xf32>
      %concatenate3A = tpu.concatenate %convert_element_type3A_44, %convert_element_type3A_48 in 0 : vector<256x8xf32>, vector<256x8xf32> -> vector<512x8xf32>
      %get3A_49 = arith.constant 0 : index
      %get3A_50 = arith.constant 0 : index
      %get3A_51 = vector.load %arg10[%get3A_49, %get3A_50] : memref<1x8xf32, #tpu.memory_space<vmem>>, vector<1x8xf32>
      %reduce_sum3A = arith.constant dense<0.000000e+00> : vector<8xf32>
      %reduce_sum3A_52 = vector.multi_reduction <add>, %concatenate3A, %reduce_sum3A [0] : vector<512x8xf32> to vector<8xf32>
      %broadcast_in_dim3A_53 = vector.shape_cast %reduce_sum3A_52 : vector<8xf32> to vector<1x8xf32>
      %add3A = arith.addf %get3A_51, %broadcast_in_dim3A_53 : vector<1x8xf32>
      %swap3A_54 = arith.constant 0 : index
      %swap3A_55 = arith.constant 0 : index
      %swap3A_56 = vector.load %arg10[%swap3A_54, %swap3A_55] : memref<1x8xf32, #tpu.memory_space<vmem>>, vector<1x8xf32>
      tpu.vector_store %arg10[%swap3A_54, %swap3A_55], %add3A {strides = array<i32>} : memref<1x8xf32, #tpu.memory_space<vmem>>, vector<1x8xf32>,
    } else {
    }
    %eq3A_9 = arith.constant 1 : i32
    %eq3A_10 = arith.cmpi eq, %arg0, %eq3A_9 : i32
    %eq3A_11 = arith.constant 0 : i32
    %eq3A_12 = arith.cmpi eq, %arg1, %eq3A_11 : i32
    %and3A_13 = arith.andi %eq3A_10, %eq3A_12 : i1
    %convert_element_type3A_14 = arith.extui %and3A_13 : i1 to i32
    %cond3A_15 = arith.constant 0 : i32
    %cond3A_16 = arith.cmpi ne, %convert_element_type3A_14, %cond3A_15 : i32
    scf.if %cond3A_16 {
      %get3A = arith.constant 0 : index
      %get3A_22 = arith.constant 0 : index
      %get3A_23 = vector.load %arg10[%get3A, %get3A_22] : memref<1x8xf32, #tpu.memory_space<vmem>>, vector<1x8xf32>
      %add3A = arith.constant 1.270000e+02 : f32
      %add3A_24 = vector.broadcast %add3A : f32 to vector<1x8xf32>
      %add3A_25 = arith.addf %get3A_23, %add3A_24 : vector<1x8xf32>
      %div3A = arith.constant 1.280000e+02 : f32
      %div3A_26 = vector.broadcast %div3A : f32 to vector<1x8xf32>
      %div3A_27 = arith.divf %add3A_25, %div3A_26 : vector<1x8xf32>
      %floor3A = math.floor %div3A_27 : vector<1x8xf32>
      %mul3A = arith.constant 1.280000e+02 : f32
      %mul3A_28 = vector.broadcast %mul3A : f32 to vector<1x8xf32>
      %mul3A_29 = arith.mulf %floor3A, %mul3A_28 : vector<1x8xf32>
      %iota3A = tpu.iota {dimensions = array<i32: 0>} : vector<8x8xi32>
      %iota3A_30 = tpu.iota {dimensions = array<i32: 1>} : vector<8x8xi32>
      %lt3A = arith.cmpi slt, %iota3A, %iota3A_30 : vector<8x8xi32>
      %convert_element_type3A_31 = arith.extui %lt3A : vector<8x8xi1> to vector<8x8xi32>
      %convert_element_type3A_32 = arith.sitofp %convert_element_type3A_31 : vector<8x8xi32> to vector<8x8xf32>
      %dot_general3A = arith.constant dense<0.000000e+00> : vector<1x8xf32>
      %dot_general3A_33 = tpu.matmul %mul3A_29, %convert_element_type3A_32, %dot_general3A {dimension_numbers = #tpu.dot_dimension_numbers<[1], [0], [0], [1], [0, 0, 1, 1], [], []>, transpose_lhs_hint = false} : vector<1x8xf32>, vector<8x8xf32>, vector<1x8xf32> -> vector<1x8xf32>
      %swap3A = arith.constant 0 : index
      %swap3A_34 = arith.constant 0 : index
      %swap3A_35 = vector.load %arg11[%swap3A, %swap3A_34] : memref<1x8xf32, #tpu.memory_space<vmem>>, vector<1x8xf32>
      tpu.vector_store %arg11[%swap3A, %swap3A_34], %dot_general3A_33 {strides = array<i32>} : memref<1x8xf32, #tpu.memory_space<vmem>>, vector<1x8xf32>,
      %broadcast_in_dim3A = arith.constant 0.000000e+00 : f32
      %broadcast_in_dim3A_36 = vector.broadcast %broadcast_in_dim3A : f32 to vector<1x8xf32>
      %swap3A_37 = arith.constant 0 : index
      %swap3A_38 = arith.constant 0 : index
      %swap3A_39 = vector.load %arg10[%swap3A_37, %swap3A_38] : memref<1x8xf32, #tpu.memory_space<vmem>>, vector<1x8xf32>
      tpu.vector_store %arg10[%swap3A_37, %swap3A_38], %broadcast_in_dim3A_36 {strides = array<i32>} : memref<1x8xf32, #tpu.memory_space<vmem>>, vector<1x8xf32>,
      %add3A_40 = arith.addf %dot_general3A_33, %mul3A_29 : vector<1x8xf32>
      %iota3A_41 = tpu.iota {dimensions = array<i32: 0>} : vector<64x8xi32>
      %convert_element_type3A_42 = arith.sitofp %iota3A_41 : vector<64x8xi32> to vector<64x8xf32>
      %mul3A_43 = arith.constant 1.280000e+02 : f32
      %mul3A_44 = vector.broadcast %mul3A_43 : f32 to vector<64x8xf32>
      %mul3A_45 = arith.mulf %convert_element_type3A_42, %mul3A_44 : vector<64x8xf32>
      %broadcast_in_dim3A_46 = vector.shape_cast %add3A_40 : vector<1x8xf32> to vector<1x8xf32>
      %broadcast_in_dim3A_47 = vector.broadcast %broadcast_in_dim3A_46 : vector<1x8xf32> to vector<64x8xf32>
      %ge3A = arith.cmpf oge, %mul3A_45, %broadcast_in_dim3A_47 : vector<64x8xf32>
      %convert_element_type3A_48 = arith.extui %ge3A : vector<64x8xi1> to vector<64x8xi32>
      %reduce_sum3A = arith.constant dense<0> : vector<64xi32>
      %reduce_sum3A_49 = vector.multi_reduction <add>, %convert_element_type3A_48, %reduce_sum3A [1] : vector<64x8xi32> to vector<64xi32>
      %min3A = arith.constant 7 : i32
      %min3A_50 = vector.broadcast %min3A : i32 to vector<64xi32>
      %min3A_51 = arith.minsi %reduce_sum3A_49, %min3A_50 : vector<64xi32>
      %swap3A_52 = arith.constant 0 : index
      %swap3A_53 = arith.constant 0 : index
      %swap3A_54 = arith.constant 0 : index
      %swap3A_55 = vector.load %arg8[%swap3A_52, %swap3A_53, %swap3A_54] : memref<1x1x64xi32, #tpu.memory_space<vmem>>, vector<1x1x64xi32>
      %swap3A_56 = vector.shape_cast %swap3A_55 : vector<1x1x64xi32> to vector<64xi32>
      %swap3A_57 = vector.shape_cast %min3A_51 : vector<64xi32> to vector<1x1x64xi32>
      tpu.vector_store %arg8[%swap3A_52, %swap3A_53, %swap3A_54], %swap3A_57 {strides = array<i32>} : memref<1x1x64xi32, #tpu.memory_space<vmem>>, vector<1x1x64xi32>,
    } else {
    }
    %eq3A_17 = arith.constant 1 : i32
    %eq3A_18 = arith.cmpi eq, %arg0, %eq3A_17 : i32
    %convert_element_type3A_19 = arith.extui %eq3A_18 : i1 to i32
    %cond3A_20 = arith.constant 0 : i32
    %cond3A_21 = arith.cmpi ne, %convert_element_type3A_19, %cond3A_20 : i32
    scf.if %cond3A_21 {
      %mul3A = arith.constant 256 : i32
      %mul3A_22 = arith.muli %arg1, %mul3A : i32
      %get3A = arith.index_cast %mul3A_22 : i32 to index
      %get3A_23 = arith.constant 0 : index
      %get3A_24 = vector.load %arg9[%get3A, %get3A_23] : memref<2048x128xf32, #tpu.memory_space<vmem>>, vector<256x8xf32>
      %iota3A = tpu.iota {dimensions = array<i32: 1>} : vector<256x8xi32>
      %reduce_max3A = arith.constant dense<0xFF800000> : vector<256xf32>
      %reduce_max3A_25 = vector.multi_reduction <maximumf>, %get3A_24, %reduce_max3A [1] : vector<256x8xf32> to vector<256xf32>
      %broadcast_in_dim3A = vector.shape_cast %reduce_max3A_25 : vector<256xf32> to vector<256x1xf32>
      %argmax3A = tpu.reduce_index %get3A_24 {axis = 1 : i32, kind = #tpu.reduction_kind<arg_max>} : vector<256x8xf32> -> vector<256xi32>
      %broadcast_in_dim3A_26 = vector.shape_cast %argmax3A : vector<256xi32> to vector<256x1xi32>
      %eq3A_27 = vector.broadcast %broadcast_in_dim3A_26 : vector<256x1xi32> to vector<256x8xi32>
      %eq3A_28 = arith.cmpi eq, %iota3A, %eq3A_27 : vector<256x8xi32>
      %jit3A = arith.constant 0xFF800000 : f32
      %broadcast_in_dim3A_29 = vector.broadcast %jit3A : f32 to vector<256x8xf32>
      %select_n3A = arith.select %eq3A_28, %broadcast_in_dim3A_29, %get3A_24 : vector<256x8xi1>, vector<256x8xf32>
      %reduce_max3A_30 = arith.constant dense<0xFF800000> : vector<256xf32>
      %reduce_max3A_31 = vector.multi_reduction <maximumf>, %select_n3A, %reduce_max3A_30 [1] : vector<256x8xf32> to vector<256xf32>
      %broadcast_in_dim3A_32 = vector.shape_cast %reduce_max3A_31 : vector<256xf32> to vector<256x1xf32>
      %argmax3A_33 = tpu.reduce_index %select_n3A {axis = 1 : i32, kind = #tpu.reduction_kind<arg_max>} : vector<256x8xf32> -> vector<256xi32>
      %broadcast_in_dim3A_34 = vector.shape_cast %argmax3A_33 : vector<256xi32> to vector<256x1xi32>
      %sub3A = arith.subf %broadcast_in_dim3A_32, %broadcast_in_dim3A : vector<256x1xf32>
      %exp3A = math.exp %sub3A : vector<256x1xf32>
      %add3A = arith.constant 1.000000e+00 : f32
      %add3A_35 = vector.broadcast %add3A : f32 to vector<256x1xf32>
      %add3A_36 = arith.addf %add3A_35, %exp3A : vector<256x1xf32>
      %div3A = arith.constant 1.000000e+00 : f32
      %div3A_37 = vector.broadcast %div3A : f32 to vector<256x1xf32>
      %div3A_38 = arith.divf %div3A_37, %add3A_36 : vector<256x1xf32>
      %squeeze3A = vector.shape_cast %div3A_38 : vector<256x1xf32> to vector<256xf32>
      %swap3A = arith.constant 0 : index
      %swap3A_39 = arith.constant 0 : index
      %swap3A_40 = arith.constant 0 : index
      %swap3A_41 = vector.load %arg6[%swap3A, %swap3A_39, %swap3A_40] : memref<1x1x256xf32, #tpu.memory_space<vmem>>, vector<1x1x256xf32>
      %swap3A_42 = vector.shape_cast %swap3A_41 : vector<1x1x256xf32> to vector<256xf32>
      %swap3A_43 = vector.shape_cast %squeeze3A : vector<256xf32> to vector<1x1x256xf32>
      tpu.vector_store %arg6[%swap3A, %swap3A_39, %swap3A_40], %swap3A_43 {strides = array<i32>} : memref<1x1x256xf32, #tpu.memory_space<vmem>>, vector<1x1x256xf32>,
      %squeeze3A_44 = vector.shape_cast %div3A_38 : vector<256x1xf32> to vector<256xf32>
      %sub3A_45 = arith.constant 1.000000e+00 : f32
      %sub3A_46 = vector.broadcast %sub3A_45 : f32 to vector<256xf32>
      %sub3A_47 = arith.subf %sub3A_46, %squeeze3A_44 : vector<256xf32>
      %swap3A_48 = arith.constant 0 : index
      %swap3A_49 = arith.constant 0 : index
      %swap3A_50 = arith.constant 0 : index
      %swap3A_51 = vector.load %arg7[%swap3A_48, %swap3A_49, %swap3A_50] : memref<1x1x256xf32, #tpu.memory_space<vmem>>, vector<1x1x256xf32>
      %swap3A_52 = vector.shape_cast %swap3A_51 : vector<1x1x256xf32> to vector<256xf32>
      %swap3A_53 = vector.shape_cast %sub3A_47 : vector<256xf32> to vector<1x1x256xf32>
      tpu.vector_store %arg7[%swap3A_48, %swap3A_49, %swap3A_50], %swap3A_53 {strides = array<i32>} : memref<1x1x256xf32, #tpu.memory_space<vmem>>, vector<1x1x256xf32>,
      %eq3A_54 = vector.broadcast %broadcast_in_dim3A_26 : vector<256x1xi32> to vector<256x8xi32>
      %eq3A_55 = arith.cmpi eq, %iota3A, %eq3A_54 : vector<256x8xi32>
      %convert_element_type3A_56 = arith.extui %eq3A_55 : vector<256x8xi1> to vector<256x8xi32>
      %convert_element_type3A_57 = arith.sitofp %convert_element_type3A_56 : vector<256x8xi32> to vector<256x8xf32>
      %eq3A_58 = vector.broadcast %broadcast_in_dim3A_34 : vector<256x1xi32> to vector<256x8xi32>
      %eq3A_59 = arith.cmpi eq, %iota3A, %eq3A_58 : vector<256x8xi32>
      %convert_element_type3A_60 = arith.extui %eq3A_59 : vector<256x8xi1> to vector<256x8xi32>
      %convert_element_type3A_61 = arith.sitofp %convert_element_type3A_60 : vector<256x8xi32> to vector<256x8xf32>
      %concatenate3A = tpu.concatenate %convert_element_type3A_57, %convert_element_type3A_61 in 0 : vector<256x8xf32>, vector<256x8xf32> -> vector<512x8xf32>
      %get3A_62 = arith.constant 0 : index
      %get3A_63 = arith.constant 0 : index
      %get3A_64 = vector.load %arg12[%get3A_62, %get3A_63] : memref<512x512xbf16, #tpu.memory_space<vmem>>, vector<512x512xbf16>
      %convert_element_type3A_65 = arith.truncf %concatenate3A : vector<512x8xf32> to vector<512x8xbf16>
      %dot_general3A = arith.constant dense<0.000000e+00> : vector<512x8xf32>
      %dot_general3A_66 = tpu.matmul %get3A_64, %convert_element_type3A_65, %dot_general3A {dimension_numbers = #tpu.dot_dimension_numbers<[1], [0], [0], [1], [0, 0, 1, 1], [], []>, transpose_lhs_hint = false} : vector<512x512xbf16>, vector<512x8xbf16>, vector<512x8xf32> -> vector<512x8xf32>
      %get3A_67 = arith.constant 0 : index
      %get3A_68 = arith.constant 0 : index
      %get3A_69 = vector.load %arg10[%get3A_67, %get3A_68] : memref<1x8xf32, #tpu.memory_space<vmem>>, vector<1x8xf32>
      %get3A_70 = arith.constant 0 : index
      %get3A_71 = arith.constant 0 : index
      %get3A_72 = vector.load %arg11[%get3A_70, %get3A_71] : memref<1x8xf32, #tpu.memory_space<vmem>>, vector<1x8xf32>
      %add3A_73 = arith.addf %get3A_69, %get3A_72 : vector<1x8xf32>
      %add3A_74 = vector.broadcast %add3A_73 : vector<1x8xf32> to vector<512x8xf32>
      %add3A_75 = arith.addf %dot_general3A_66, %add3A_74 : vector<512x8xf32>
      %mul3A_76 = arith.mulf %concatenate3A, %add3A_75 : vector<512x8xf32>
      %reduce_sum3A = arith.constant dense<0.000000e+00> : vector<512xf32>
      %reduce_sum3A_77 = vector.multi_reduction <add>, %mul3A_76, %reduce_sum3A [1] : vector<512x8xf32> to vector<512xf32>
      %convert_element_type3A_78 = arith.fptosi %reduce_sum3A_77 : vector<512xf32> to vector<512xi32>
      %slice3A = vector.extract_strided_slice %convert_element_type3A_78 {offsets = [0], sizes = [256], strides = [1]} : vector<512xi32> to vector<256xi32>
      %swap3A_79 = arith.constant 0 : index
      %swap3A_80 = arith.constant 0 : index
      %swap3A_81 = arith.constant 0 : index
      %swap3A_82 = vector.load %arg5[%swap3A_79, %swap3A_80, %swap3A_81] : memref<1x2x256xi32, #tpu.memory_space<vmem>>, vector<1x1x256xi32>
      %swap3A_83 = vector.shape_cast %swap3A_82 : vector<1x1x256xi32> to vector<256xi32>
      %swap3A_84 = vector.shape_cast %slice3A : vector<256xi32> to vector<1x1x256xi32>
      tpu.vector_store %arg5[%swap3A_79, %swap3A_80, %swap3A_81], %swap3A_84 {strides = array<i32>} : memref<1x2x256xi32, #tpu.memory_space<vmem>>, vector<1x1x256xi32>,
      %slice3A_85 = vector.extract_strided_slice %convert_element_type3A_78 {offsets = [256], sizes = [256], strides = [1]} : vector<512xi32> to vector<256xi32>
      %swap3A_86 = arith.constant 0 : index
      %swap3A_87 = arith.constant 1 : index
      %swap3A_88 = arith.constant 0 : index
      %swap3A_89 = vector.load %arg5[%swap3A_86, %swap3A_87, %swap3A_88] : memref<1x2x256xi32, #tpu.memory_space<vmem>>, vector<1x1x256xi32>
      %swap3A_90 = vector.shape_cast %swap3A_89 : vector<1x1x256xi32> to vector<256xi32>
      %swap3A_91 = vector.shape_cast %slice3A_85 : vector<256xi32> to vector<1x1x256xi32>
      tpu.vector_store %arg5[%swap3A_86, %swap3A_87, %swap3A_88], %swap3A_91 {strides = array<i32>} : memref<1x2x256xi32, #tpu.memory_space<vmem>>, vector<1x1x256xi32>,
      %get3A_92 = arith.constant 0 : index
      %get3A_93 = arith.constant 0 : index
      %get3A_94 = vector.load %arg10[%get3A_92, %get3A_93] : memref<1x8xf32, #tpu.memory_space<vmem>>, vector<1x8xf32>
      %reduce_sum3A_95 = arith.constant dense<0.000000e+00> : vector<8xf32>
      %reduce_sum3A_96 = vector.multi_reduction <add>, %concatenate3A, %reduce_sum3A_95 [0] : vector<512x8xf32> to vector<8xf32>
      %broadcast_in_dim3A_97 = vector.shape_cast %reduce_sum3A_96 : vector<8xf32> to vector<1x8xf32>
      %add3A_98 = arith.addf %get3A_94, %broadcast_in_dim3A_97 : vector<1x8xf32>
      %swap3A_99 = arith.constant 0 : index
      %swap3A_100 = arith.constant 0 : index
      %swap3A_101 = vector.load %arg10[%swap3A_99, %swap3A_100] : memref<1x8xf32, #tpu.memory_space<vmem>>, vector<1x8xf32>
      tpu.vector_store %arg10[%swap3A_99, %swap3A_100], %add3A_98 {strides = array<i32>} : memref<1x8xf32, #tpu.memory_space<vmem>>, vector<1x8xf32>,
    } else {
    }
    return
  }
  func.func @transform_0(%arg0: i32, %arg1: i32) -> (i32, i32) {
    %sub3A = arith.constant 1 : i32
    %sub3A_0 = arith.subi %sub3A, %arg0 : i32
    %mul3A = arith.muli %arg1, %sub3A_0 : i32
    %c0_i32 = arith.constant 0 : i32
    %c0_i32_1 = arith.constant 0 : i32
    return %mul3A, %c0_i32 : i32, i32
  }
  func.func @transform_1(%arg0: i32, %arg1: i32) -> (i32, i32) {
    %c0_i32 = arith.constant 0 : i32
    %c0_i32_0 = arith.constant 0 : i32
    %c0_i32_1 = arith.constant 0 : i32
    return %c0_i32, %c0_i32_0 : i32, i32
  }
  func.func @transform_2(%arg0: i32, %arg1: i32) -> (i32, i32) {
    %c0_i32 = arith.constant 0 : i32
    %c0_i32_0 = arith.constant 0 : i32
    %c0_i32_1 = arith.constant 0 : i32
    return %c0_i32, %c0_i32_0 : i32, i32
  }
  func.func @transform_3(%arg0: i32, %arg1: i32) -> (i32, i32, i32) {
    %c0_i32 = arith.constant 0 : i32
    %c0_i32_0 = arith.constant 0 : i32
    %c0_i32_1 = arith.constant 0 : i32
    return %arg1, %c0_i32, %c0_i32_0 : i32, i32, i32
  }
  func.func @transform_4(%arg0: i32, %arg1: i32) -> (i32, i32, i32) {
    %c0_i32 = arith.constant 0 : i32
    %c0_i32_0 = arith.constant 0 : i32
    %c0_i32_1 = arith.constant 0 : i32
    return %arg1, %c0_i32, %c0_i32_0 : i32, i32, i32
  }
  func.func @transform_5(%arg0: i32, %arg1: i32) -> (i32, i32, i32) {
    %c0_i32 = arith.constant 0 : i32
    %c0_i32_0 = arith.constant 0 : i32
    %c0_i32_1 = arith.constant 0 : i32
    return %arg1, %c0_i32, %c0_i32_0 : i32, i32, i32
  }
  func.func @transform_6(%arg0: i32, %arg1: i32) -> (i32, i32, i32) {
    %c0_i32 = arith.constant 0 : i32
    %c0_i32_0 = arith.constant 0 : i32
    %c0_i32_1 = arith.constant 0 : i32
    %c0_i32_2 = arith.constant 0 : i32
    return %c0_i32, %c0_i32_0, %c0_i32_1 : i32, i32, i32
  }
}

module attributes {stable_mosaic.version = 14 : i64} {
  func.func @_comb_body(%arg0: i32, %arg1: memref<256x768xf32, #tpu.memory_space<vmem>>, %arg2: memref<256x768xf32, #tpu.memory_space<vmem>>, %arg3: memref<256x1xf32, #tpu.memory_space<vmem>>, %arg4: memref<256x1xf32, #tpu.memory_space<vmem>>, %arg5: memref<256x768xf32, #tpu.memory_space<vmem>>) attributes {dimension_semantics = [#tpu.dimension_semantics<arbitrary>], iteration_bounds = array<i64: 8>, scalar_prefetch = 0 : i64, scratch_operands = 0 : i64, tpu.core_type = #tpu.core_type<tc>, window_params = [{transform_indices = @transform_0, window_bounds = array<i64: 256, 768>}, {transform_indices = @transform_1, window_bounds = array<i64: 256, 768>}, {transform_indices = @transform_2, window_bounds = array<i64: 256, 1>}, {transform_indices = @transform_3, window_bounds = array<i64: 256, 1>}, {transform_indices = @transform_4, window_bounds = array<i64: 256, 768>}]} {
    %get3A = arith.constant 0 : index
    %get3A_0 = arith.constant 0 : index
    %get3A_1 = vector.load %arg3[%get3A, %get3A_0] : memref<256x1xf32, #tpu.memory_space<vmem>>, vector<256x1xf32>
    %get3A_2 = arith.constant 0 : index
    %get3A_3 = arith.constant 0 : index
    %get3A_4 = vector.load %arg1[%get3A_2, %get3A_3] : memref<256x768xf32, #tpu.memory_space<vmem>>, vector<256x768xf32>
    %mul3A = vector.broadcast %get3A_1 : vector<256x1xf32> to vector<256x768xf32>
    %mul3A_5 = arith.mulf %mul3A, %get3A_4 : vector<256x768xf32>
    %get3A_6 = arith.constant 0 : index
    %get3A_7 = arith.constant 0 : index
    %get3A_8 = vector.load %arg4[%get3A_6, %get3A_7] : memref<256x1xf32, #tpu.memory_space<vmem>>, vector<256x1xf32>
    %get3A_9 = arith.constant 0 : index
    %get3A_10 = arith.constant 0 : index
    %get3A_11 = vector.load %arg2[%get3A_9, %get3A_10] : memref<256x768xf32, #tpu.memory_space<vmem>>, vector<256x768xf32>
    %mul3A_12 = vector.broadcast %get3A_8 : vector<256x1xf32> to vector<256x768xf32>
    %mul3A_13 = arith.mulf %mul3A_12, %get3A_11 : vector<256x768xf32>
    %add3A = arith.addf %mul3A_5, %mul3A_13 : vector<256x768xf32>
    %swap3A = arith.constant 0 : index
    %swap3A_14 = arith.constant 0 : index
    %swap3A_15 = vector.load %arg5[%swap3A, %swap3A_14] : memref<256x768xf32, #tpu.memory_space<vmem>>, vector<256x768xf32>
    tpu.vector_store %arg5[%swap3A, %swap3A_14], %add3A {strides = array<i32>} : memref<256x768xf32, #tpu.memory_space<vmem>>, vector<256x768xf32>,
    return
  }
  func.func @transform_0(%arg0: i32) -> (i32, i32) {
    %c0_i32 = arith.constant 0 : i32
    %c0_i32_0 = arith.constant 0 : i32
    return %arg0, %c0_i32 : i32, i32
  }
  func.func @transform_1(%arg0: i32) -> (i32, i32) {
    %c0_i32 = arith.constant 0 : i32
    %c0_i32_0 = arith.constant 0 : i32
    return %arg0, %c0_i32 : i32, i32
  }
  func.func @transform_2(%arg0: i32) -> (i32, i32) {
    %c0_i32 = arith.constant 0 : i32
    %c0_i32_0 = arith.constant 0 : i32
    return %arg0, %c0_i32 : i32, i32
  }
  func.func @transform_3(%arg0: i32) -> (i32, i32) {
    %c0_i32 = arith.constant 0 : i32
    %c0_i32_0 = arith.constant 0 : i32
    return %arg0, %c0_i32 : i32, i32
  }
  func.func @transform_4(%arg0: i32) -> (i32, i32) {
    %c0_i32 = arith.constant 0 : i32
    %c0_i32_0 = arith.constant 0 : i32
    return %arg0, %c0_i32 : i32, i32
  }
}

</mosaic_0001>

<sc_bundles>
// kernel: kernel.10.cloned.1.call-start
scs
__scs_entry_jumppad:
0x0: {  	(pc) =	sbr.rel $0x88, $3  }
0x1: {  	(tag) =	ssettag $0x0;
	lr =	simm.s32 $0x1  }
0x2: {  	[smem:$0x3F9C] =	sst lr;
	_ =	strace $0xD0000000  }
0x3: {  	_ = 	snop  }
0x4: {  	_ = 	snop  }
0x5: {  	_ = 	snop  }
0x6: {  	_ = 	snop  }
0x7: {  	_ = 	snop  }
__scs_overlays_trampoline_lowered:
0x8: {  	[smem:$0x3FAB] =	sst s0  }
0x9: {  	[smem:$0x3FAC] =	sst s1  }
0xa: {  	[smem:$0x3FAD] =	sst s2  }
0xb: {  	[smem:$0x3FAE] =	sst s3  }
0xc: {  	[smem:$0x3FAF] =	sst s4  }
0xd: {  	[smem:$0x3FB0] =	sst s5  }
0xe: {  	[smem:$0x3FB1] =	sst s6  }
0xf: {  	[smem:$0x3FB2] =	sst s7  }
0x10: {  	[smem:$0x3FB3] =	sst s8  }
0x11: {  	[smem:$0x3FB4] =	sst s9;
	s0 =	simm.s32 @!p0 $0x0  }
0x12: {  	s1 =	sld [smem:$0x3F9A];
	s0 =	simm.s32 @p0 $0x1  }
0x13: {  	[smem:$0x3FB5] =	sst s0;
	s0 =	simm.s32 @!p1 $0x0  }
0x14: {  	s2 =	sld [smem:$0x3F99];
	s0 =	simm.s32 @p1 $0x1  }
0x15: {  	[smem:$0x3FB6] =	sst s0;
	s0 =	simm.s32 @!p2 $0x0  }
0x16: {  	s3 =	sld [smem:$0x3FDB];
	s0 =	simm.s32 @p2 $0x1  }
0x17: {  	s4 =	simm.s32 $0x1BF5;
	[smem:$0x3FB8] =	sst s0  }
0x18: {  	s0 =	sld [smem:$0x3F9B];
	_ =	swait.ge [sflag:s4], $0x0  }
0x19: {  	s7 =	sld [smem:$0x3F9C]  }
0x1a: {  	s8 =	sadd.s32 $0xFFFFE003, lr  }
0x1b: {  	s9 =	sadd.s32 $0xFFFFFEF7, lr;
	s5 =	simm.s32 $0xFFFFFFFF;
	p2 =	slt.u32 s8, $0xFFFFF086  }
0x1c: {  	p1 =	slt.u32 s9, $0xF7A;
	s5 =	simm.s32 @!p2 $0x0  }
0x1d: {  	s5 =	simm.s32 @p1 $0x1;
	p0 =	seq.s32 s7, s2  }
0x1e: {  	s7 =	smul.u32 @!p0 $0xF7A, s2;
	p2 =	seq.s32 @!p0 s5, $0x0  }
0x1f: {  	s9 =	smul.u32 $0xF7A, s1;
	s8 =	simm.s32 @!p0 $0x1BF5;
	p2 =	por !p2, p0  }
0x20: {  	[sflag:s8] =	ssyncset.s32 @!p0 $0xFFFFF086;
	s6 =	sadd.s32 @!p0 s3, s7;
	s7 =	simm.s32 @!p0 $0x108  }
0x21: {  	s3 =	sadd.s32 s3, s9;
	s6 =	sadd.s32 @!p0 $0x88, s6;
	s7 =	simm.s32 @p2 $0x1082  }
0x22: {  	[simem:s7], [sflag:s8] =	dma.local @!p0 [hbm:s6], $0xF7A  }
0x23: {  	s9 =	sor.u32 $0xD0000000, s2;
	s6 =	simm.s32 $0x108;
	_ =	swait.ge @!p0 [sflag:s8], $0x0  }
0x24: {  	s3 =	sadd.s32 $0x88, s3;
	s6 =	simm.s32 @!p1 $0x1082;
	[sflag:s4] =	ssyncset.s32 $0xFFFFF086  }
0x25: {  	[simem:s6], [sflag:s4] =	dma.local [hbm:s3], $0xF7A  }
0x26: {  	[smem:$0x3F9C] =	sst s1;
	(tag) =	ssettag s2;
	_ =	strace s9  }
0x27: {  	s1 =	sld [smem:$0x3FAC]  }
0x28: {  	s2 =	sld [smem:$0x3FAD]  }
0x29: {  	s4 =	sld [smem:$0x3FAF]  }
0x2a: {  	p0 =	seq.s32 s5, $0x0;
	s5 =	sld [smem:$0x3FB0]  }
0x2b: {  	s6 =	sld [smem:$0x3FB1]  }
0x2c: {  	s7 =	sld [smem:$0x3FB2]  }
0x2d: {  	s3 =	simm.s32 $0x108;
	s8 =	sld [smem:$0x3FB3]  }
0x2e: {  	s3 =	simm.s32 @!p0 $0x1082;
	s9 =	sld [smem:$0x3FB4]  }
0x2f: {  	lr =	sadd.s32 s0, s3;
	s0 =	sld [smem:$0x3FAB]  }
0x30: {  	s3 =	sld [smem:$0x3FAE]  }
0x31: {  	[smem:$0x3FB7] =	sst s10  }
0x32: {  	s10 =	sld [smem:$0x3FB5];
	_ =	sdelay $0x3  }
0x33: {  	p0 =	seq.s32 s10, $0x1;
	s10 =	sld [smem:$0x3FB7];
	_ =	sdelay $0x3  }
0x34: {  	[smem:$0x3FB7] =	sst s10  }
0x35: {  	s10 =	sld [smem:$0x3FB6];
	_ =	sdelay $0x3  }
0x36: {  	p1 =	seq.s32 s10, $0x1;
	s10 =	sld [smem:$0x3FB7];
	_ =	sdelay $0x3  }
0x37: {  	[smem:$0x3FB7] =	sst s10  }
0x38: {  	s10 =	sld [smem:$0x3FB8]  }
0x39: {  	_ = 	snop;
	(pc) =	sbr.ind lr, $3  }
0x3a: {  	_ = 	snop  }
0x3b: {  	_ = 	snop  }
0x3c: {  	p2 =	seq.s32 s10, $0x1;
	s10 =	sld [smem:$0x3FB7]  }
0x3d: {  	_ =	shalt  }
0x3e: {  	_ =	shalt  }
0x3f: {  	_ =	shalt  }
0x40: {  	_ =	shalt  }
0x41: {  	_ =	shalt  }
0x42: {  	_ =	shalt  }
0x43: {  	_ =	shalt  }
0x44: {  	_ =	shalt  }
0x45: {  	_ =	shalt  }
0x46: {  	_ =	shalt  }
0x47: {  	_ =	shalt  }
0x48: {  	_ =	shalt  }
0x49: {  	_ =	shalt  }
0x4a: {  	_ =	shalt  }
0x4b: {  	_ =	shalt  }
0x4c: {  	_ =	shalt  }
0x4d: {  	_ =	shalt  }
0x4e: {  	_ =	shalt  }
0x4f: {  	_ =	shalt  }
0x50: {  	_ =	shalt  }
0x51: {  	_ =	shalt  }
0x52: {  	_ =	shalt  }
0x53: {  	_ =	shalt  }
0x54: {  	_ =	shalt  }
0x55: {  	_ =	shalt  }
0x56: {  	_ =	shalt  }
0x57: {  	_ =	shalt  }
0x58: {  	_ =	shalt  }
0x59: {  	_ =	shalt  }
0x5a: {  	_ =	shalt  }
0x5b: {  	_ =	shalt  }
0x5c: {  	_ =	shalt  }
0x5d: {  	_ =	shalt  }
0x5e: {  	_ =	shalt  }
0x5f: {  	_ =	shalt  }
0x60: {  	_ =	shalt  }
0x61: {  	_ =	shalt  }
0x62: {  	_ =	shalt  }
0x63: {  	_ =	shalt  }
0x64: {  	_ =	shalt  }
0x65: {  	_ =	shalt  }
0x66: {  	_ =	shalt  }
0x67: {  	_ =	shalt  }
0x68: {  	_ =	shalt  }
0x69: {  	_ =	shalt  }
0x6a: {  	_ =	shalt  }
0x6b: {  	_ =	shalt  }
0x6c: {  	_ =	shalt  }
0x6d: {  	_ =	shalt  }
0x6e: {  	_ =	shalt  }
0x6f: {  	_ =	shalt  }
0x70: {  	_ =	shalt  }
0x71: {  	_ =	shalt  }
0x72: {  	_ =	shalt  }
0x73: {  	_ =	shalt  }
0x74: {  	_ =	shalt  }
0x75: {  	_ =	shalt  }
0x76: {  	_ =	shalt  }
0x77: {  	_ =	shalt  }
0x78: {  	_ =	shalt  }
0x79: {  	_ =	shalt  }
0x7a: {  	_ =	shalt  }
0x7b: {  	_ =	shalt  }
0x7c: {  	_ =	shalt  }
0x7d: {  	_ =	shalt  }
0x7e: {  	_ =	shalt  }
0x7f: {  	_ =	shalt  }
0x80: {  	_ =	shalt  }
0x81: {  	_ =	shalt  }
0x82: {  	_ =	shalt  }
0x83: {  	_ =	shalt  }
0x84: {  	_ =	shalt  }
0x85: {  	_ =	shalt  }
0x86: {  	_ =	shalt  }
0x87: {  	_ =	shalt  }
.Lfunc_end0:
.L_simem_size_0:
called_computation.1_lowered:
.L_overlay_start_0:
0x88: {  	s2 =	sld [smem:$0x3FD9]  }
0x89: {  	s3 =	sld [smem:$0x3FFE];
	_ =	sdelay $0x1  }
0x8a: {  	s1 =	srdreg.scid  }
0x8b: {  	s0 =	sand.u32 $0x1, s1  }
0x8c: {  	s14 =	sshll.u32 s0, $0xA;
	s2 =	sadd.s32 s3, s2  }
0x8d: {  	s2 =	sadd.s32 s2, s14  }
0x8e: {  	[smem:$0x3FC3] =	sst s2  }
0x8f: {  	_ = 	snop  }
0x90: {  	s2 =	sld [smem:$0x3FD0];
	_ =	sdelay $0x2  }
0x91: {  	s15 =	simm.s32 $0xA;
	s4 =	simm.s32 $0x10  }
0x92: {  	[smem:s4], [sflag:s15] =	dma.local [hbm:s2], $0x1  }
0x93: {  	_ =	swait.eq [sflag:s15], $0x1  }
0x94: {  	[sflag:s15] =	ssyncset.done $0x0  }
0x95: {  	[sflag:s15] =	ssyncadd.s32 $0xFFFFFFFF  }
0x96: {  	s16 =	sld [smem:$0x10];
	(tm) =	ssettm $0x1  }
0x97: {  	s17 =	sld [smem:$0x3FFB];
	_ =	sdelay $0x3  }
0x98: {  	_ =	strace s17  }
0x99: {  	s3 =	sld [smem:$0x3FFC];
	_ =	sdelay $0x3  }
0x9a: {  	_ =	strace s3  }
0x9b: {  	s3 =	sld [smem:$0x3FFD];
	_ =	sdelay $0x3  }
0x9c: {  	_ =	strace s3  }
0x9d: {  	_ =	strace $0x8FFFFFFF  }
0x9e: {  	s18 =	sld [smem:$0x3FDB];
	_ =	sdelay $0x1  }
0x9f: {  	s19 =	simm.s32 $_scs_section_size  }
0xa0: {  	s5 =	simm.s32 $_size__tile_overlayer_lowered;
	s6 =	simm.s32 $_tile_overlayer_lowered  }
0xa1: {  	s22 =	simm.s32 $0x1BFF;
	s21 =	sshll.u32 s6, $0x1;
	s3 =	sadd.s32 s19, s18  }
0xa2: {  	s7 =	simm.s32 $0x0;
	s20 =	sshll.u32 s5, $0x1;
	s5 =	sadd.s32 s21, s3  }
0xa3: {  	[timem:s7], [sflag:s22] =	dma.local [hbm:s5], s20  }
0xa4: {  	_ =	swait.ge [sflag:s22], s20  }
0xa5: {  	s4 =	ssub.s32 $0x0, s20;
	[sflag:s22] =	ssyncset.done $0x0  }
0xa6: {  	[sflag:s22] =	ssyncadd.s32 s4;
	_ =	sdelay $0x1  }
0xa7: {  	s23 =	simm.s32 $0x1B8B  }
0xa8: {  	_ =	swait.ge [sflag:s23], $0x1  }
0xa9: {  	[sflag:s23] =	ssyncset.done $0x0  }
0xaa: {  	s25 =	simm.s32 $0x1B8E;
	s24 =	sld [smem:$0x3FFE];
	[sflag:s23] =	ssyncadd.s32 $0xFFFFFFFF  }
0xab: {  	s26 =	simm.s32 $execute0_lowered;
	[smem:$0x3FD2] =	sst s25  }
0xac: {  	s5 =	sshll.u32 s26, $0x1;
	_ =	strace $0x80000049;
	[dreg:$0x1] =	wrdreg $0xFFFFFFFF  }
0xad: {  	s28 =	simm.s32 $_size_execute0_lowered;
	s3 =	sadd.s32 s3, s5;
	[dreg:$0x0] =	wrdreg $0x0  }
0xae: {  	s5 =	sshll.u32 s28, $0x1;
	[dreg:$0x2] =	wrdreg s3  }
0xaf: {  	[dreg:$0x3] =	wrdreg s5  }
0xb0: {  	[dreg:$0x4] =	wrdreg $0xC0  }
0xb1: {  	_ =	task [dreg:s7], $0x5FFFF  }
0xb2: {  	[dreg:$0x1] =	wrdreg $0xFFFFFFFF  }
0xb3: {  	[dreg:$0x0] =	wrdreg $0x60  }
0xb4: {  	[dreg:$0x2] =	wrdreg s24  }
0xb5: {  	[dreg:$0x3] =	wrdreg s16  }
0xb6: {  	[dreg:$0x4] =	wrdreg $0x9  }
0xb7: {  	_ =	task.clear_ibuf [dreg:s7], $0x5FFFF;
	_ =	strace $0x90000049  }
0xb8: {  	s29 =	simm.s32 $0x9;
	_ =	strace $0x8000004B  }
0xb9: {  	_ =	swait.ge [sflag:s29], $0x1  }
0xba: {  	[sflag:s29] =	ssyncadd.s32 $0xFFFFFFFF  }
0xbb: {  	_ =	strace $0x9000004B  }
0xbc: {  	_ =	sfence  }
0xbd: {  	s30 =	sld [smem:$0x0];
	_ =	sdelay $0x2  }
0xbe: {  	s31 =	sshll.u32 s1, $0xD;
	s1 =	sshrl.u32 s1, $0x2  }
0xbf: {  	s3 =	sand.u32 $0x4000, s31;
	s1 =	sadd.s32 s1, s30  }
0xc0: {  	s0 =	sor.u32 s3, s0;
	s1 =	sshll.u32 s1, $0x11  }
0xc1: {  	s0 =	sor.u32 s1, s0  }
0xc2: {  	s0 =	sadd.s32 $0x8F2B, s0  }
0xc3: {  	[sflag:s0] =	ssyncadd.remote.s32 $0x1  }
0xc4: {  	_ =	sfence.sel $0xFFFF  }
0xc5: {  	[dreg:$0x0] =	wrdreg $0xFFFFFFFF;
	(pc) =	sbr.abs _section_cstart, $3  }
0xc6: {  	[dreg:$0x1] =	wrdreg $0xFFFFFFFF  }
0xc7: {  	_ =	task.clear_ibuf [dreg:s7], $0x2FFFF;
	_ =	strace $0x9FFFFFFF  }
0xc8: {  	(tm) =	ssettm $0x7FFFFFFF  }
0xc9: {  	_ =	shalt  }
tec
execute0_lowered:
.L_overlay_start_1:
0x0: {  	(tag) =	ssettag $0x1  }
0x1: {  	s0 =	srdreg.scid;
	s1 =	rddreg [dreg:$0x0]  }
0x2: {  	s2 =	stileid.u32;
	s4 =	rddreg [dreg:$0x1];
	s10 =	simm.s32 $0x880  }
0x3: {  	s11 =	simm.s32 $0x1080;
	s12 =	simm.s32 $0x1880;
	s13 =	simm.s32 $0x2080  }
0x4: {  	s14 =	simm.s32 $0x2880;
	s15 =	simm.s32 $0x3080;
	s16 =	simm.s32 $0x3880  }
0x5: {  	s17 =	simm.s32 $0x4080;
	s18 =	simm.s32 $0x4880;
	s19 =	simm.s32 $0x5080  }
0x6: {  	s20 =	simm.s32 $0x5880;
	s21 =	simm.s32 $0x6080;
	s22 =	simm.s32 $0x6880  }
0x7: {  	s23 =	simm.s32 $0x7080;
	s28 =	simm.s32 $0x9080;
	s29 =	simm.s32 $0x9880  }
0x8: {  	s30 =	simm.s32 $0xA080;
	s31 =	simm.s32 $0xA880;
	s0 =	sand.u32 $0x1, s0  }
0x9: {  	s3 =	sshll.u32 s2, $0x4;
	s2 =	simm.s32 $0x0;
	s5 =	sshll.u32 s0, $0x3  }
0xa: {  	[smem:$0x7FF] =	sst s2;
	s0 =	ssub.s32 $0x2, s0;
	s3 =	sor.u32 s5, s3  }
0xb: {  	_ =	strace $0x8000004A;
	s24 =	sshrl.u32 s0, $0x1;
	s5 =	smul.u32 $0x300, s3  }
0xc: {  	s6 =	sadd.s32 s3, s1;
	s3 =	sadd.s32 $0x7B600, s1;
	s0 =	ssub.s32 s0, s24  }
0xd: {  	s24 =	simm.s32 $0x7880;
	s8 =	sadd.s32 $0x7B400, s6;
	s25 =	sadd.s32 $0x7B200, s6  }
0xe: {  	s6 =	smax.u32 s0, $0x1;
	s0 =	simm.s32 $0x1;
	[dreg:$0x3] =	wrdreg s8  }
0xf: {  	s7 =	sadd.s32 s5, s1;
	s4 =	sadd.s32 s4, s5;
	[dreg:$0x5] =	wrdreg s25  }
0x10: {  	v2 =	vlaneseq.u32;
	s5 =	sadd.s32 $0x7B800, s1;
	s25 =	simm.s32 $0x8080;
	[dreg:$0x4] =	wrdreg s4  }
0x11: {  	vm0 =	vmmov $0xffff;
	v1 =	vshrl.u32 v2, $0x3;
	s26 =	sadd.s32 $0x3000, s7;
	s4 =	sadd.s32 $0x7B700, s1;
	s7 =	simm.s32 $0x2  }
0x12: {  	v0 =	vand.u32 $0x7, v2;
	v2 =	vor.u32 $0x8, v2;
	v1 =	vmul.u32 $0x8, v1;
	s1 =	simm.s32 $0x80;
	[dreg:$0x6] =	wrdreg s26;
	s26 =	simm.s32 $0x8880  }
.LBB2_1:
0x13: {  	s9 =	rddreg [dreg:$0x3]  }
0x14: {  	[tilespmem:s2], [sflag:$0x2] =	stream.linear.gather [hbm4b:s9+s2], $0x40, $0x38;
	[tilespmem:$0xC080] =	vst v63  }
0x15: {  	_ =	swait.ge [sflag:s7], $0x40  }
0x16: {  	[sflag:s7] =	ssyncset.done $0x0  }
0x17: {  	[sflag:s7] =	ssyncadd.s32 $0xFFFFFFC0  }
0x18: {  	v3 =	vld [tilespmem:$0x0];
	_ =	sdelay $0x4  }
0x19: {  	v4 =	vshrl.u32 v3, $0x3  }
0x1a: {  	v4 =	vmul.u32 $0x30, v4  }
0x1b: {  	v3 =	vand.u32 $0x7, v3  }
0x1c: {  	v3 =	vor.u32 v3, v4  }
0x1d: {  	v4 =	vperm.xlane v3, v0;
	_ =	sdelay $0x1  }
0x1e: {  	v4 =	vadd.s32 v1, v4;
	_ =	sdelay $0x3  }
0x1f: {  	v3 =	vperm.xlane v3, v2  }
0x20: {  	[tilespmem:s1], [sflag:$0x1] =	stream.indirect_vreg.gather [hbm4b:s3+s2], $0x80, v4, vm0, $0xb8;
	[tilespmem:$0xC080] =	vst v63  }
0x21: {  	v3 =	vadd.s32 v1, v3  }
0x22: {  	[tilespmem:s10], [sflag:$0x1] =	stream.indirect_vreg.gather [hbm4b:s4+s2], $0x80, v4, vm0, $0xb8;
	[tilespmem:$0xC080] =	vst v63  }
0x23: {  	_ = 	snop  }
0x24: {  	[tilespmem:s11], [sflag:$0x1] =	stream.indirect_vreg.gather [hbm4b:s5+s2], $0x80, v4, vm0, $0xb8;
	[tilespmem:$0xC080] =	vst v63  }
0x25: {  	_ = 	snop  }
0x26: {  	[tilespmem:s12], [sflag:$0x1] =	stream.indirect_vreg.gather [hbm4b:s3+s2], $0x80, v3, vm0, $0xb8;
	[tilespmem:$0xC080] =	vst v63  }
0x27: {  	_ = 	snop  }
0x28: {  	[tilespmem:s13], [sflag:$0x1] =	stream.indirect_vreg.gather [hbm4b:s4+s2], $0x80, v3, vm0, $0xb8;
	[tilespmem:$0xC080] =	vst v63  }
0x29: {  	_ = 	snop  }
0x2a: {  	[tilespmem:s14], [sflag:$0x1] =	stream.indirect_vreg.gather [hbm4b:s5+s2], $0x80, v3, vm0, $0xb8;
	[tilespmem:$0xC080] =	vst v63  }
0x2b: {  	v3 =	vld [tilespmem:$0x10];
	_ =	sdelay $0x4  }
0x2c: {  	v57 =	vshrl.u32 v3, $0x3  }
0x2d: {  	v4 =	vmul.u32 $0x30, v57  }
0x2e: {  	v3 =	vand.u32 $0x7, v3  }
0x2f: {  	v3 =	vor.u32 v3, v4  }
0x30: {  	v4 =	vperm.xlane v3, v0;
	_ =	sdelay $0x1  }
0x31: {  	v4 =	vadd.s32 v1, v4;
	_ =	sdelay $0x3  }
0x32: {  	v3 =	vperm.xlane v3, v2  }
0x33: {  	[tilespmem:s15], [sflag:$0x1] =	stream.indirect_vreg.gather [hbm4b:s3+s2], $0x80, v4, vm0, $0xb8;
	[tilespmem:$0xC080] =	vst v63  }
0x34: {  	v3 =	vadd.s32 v1, v3  }
0x35: {  	[tilespmem:s16], [sflag:$0x1] =	stream.indirect_vreg.gather [hbm4b:s4+s2], $0x80, v4, vm0, $0xb8;
	[tilespmem:$0xC080] =	vst v63  }
0x36: {  	_ = 	snop  }
0x37: {  	[tilespmem:s17], [sflag:$0x1] =	stream.indirect_vreg.gather [hbm4b:s5+s2], $0x80, v4, vm0, $0xb8;
	[tilespmem:$0xC080] =	vst v63  }
0x38: {  	_ = 	snop  }
0x39: {  	[tilespmem:s18], [sflag:$0x1] =	stream.indirect_vreg.gather [hbm4b:s3+s2], $0x80, v3, vm0, $0xb8;
	[tilespmem:$0xC080] =	vst v63  }
0x3a: {  	_ = 	snop  }
0x3b: {  	[tilespmem:s19], [sflag:$0x1] =	stream.indirect_vreg.gather [hbm4b:s4+s2], $0x80, v3, vm0, $0xb8;
	[tilespmem:$0xC080] =	vst v63  }
0x3c: {  	_ = 	snop  }
0x3d: {  	[tilespmem:s20], [sflag:$0x1] =	stream.indirect_vreg.gather [hbm4b:s5+s2], $0x80, v3, vm0, $0xb8;
	[tilespmem:$0xC080] =	vst v63  }
0x3e: {  	v3 =	vld [tilespmem:$0x20];
	_ =	sdelay $0x4  }
0x3f: {  	v58 =	vshrl.u32 v3, $0x3  }
0x40: {  	v4 =	vmul.u32 $0x30, v58  }
0x41: {  	v3 =	vand.u32 $0x7, v3  }
0x42: {  	v3 =	vor.u32 v3, v4  }
0x43: {  	v4 =	vperm.xlane v3, v0;
	_ =	sdelay $0x1  }
0x44: {  	v4 =	vadd.s32 v1, v4;
	_ =	sdelay $0x3  }
0x45: {  	v3 =	vperm.xlane v3, v2  }
0x46: {  	[tilespmem:s21], [sflag:$0x1] =	stream.indirect_vreg.gather [hbm4b:s3+s2], $0x80, v4, vm0, $0xb8;
	[tilespmem:$0xC080] =	vst v63  }
0x47: {  	v3 =	vadd.s32 v1, v3  }
0x48: {  	[tilespmem:s22], [sflag:$0x1] =	stream.indirect_vreg.gather [hbm4b:s4+s2], $0x80, v4, vm0, $0xb8;
	[tilespmem:$0xC080] =	vst v63  }
0x49: {  	_ = 	snop  }
0x4a: {  	[tilespmem:s23], [sflag:$0x1] =	stream.indirect_vreg.gather [hbm4b:s5+s2], $0x80, v4, vm0, $0xb8;
	[tilespmem:$0xC080] =	vst v63  }
0x4b: {  	_ = 	snop  }
0x4c: {  	[tilespmem:s24], [sflag:$0x1] =	stream.indirect_vreg.gather [hbm4b:s3+s2], $0x80, v3, vm0, $0xb8;
	[tilespmem:$0xC080] =	vst v63  }
0x4d: {  	_ = 	snop  }
0x4e: {  	[tilespmem:s25], [sflag:$0x1] =	stream.indirect_vreg.gather [hbm4b:s4+s2], $0x80, v3, vm0, $0xb8;
	[tilespmem:$0xC080] =	vst v63  }
0x4f: {  	_ = 	snop  }
0x50: {  	[tilespmem:s26], [sflag:$0x1] =	stream.indirect_vreg.gather [hbm4b:s5+s2], $0x80, v3, vm0, $0xb8;
	[tilespmem:$0xC080] =	vst v63  }
0x51: {  	v3 =	vld [tilespmem:$0x30];
	_ =	sdelay $0x4  }
0x52: {  	v59 =	vshrl.u32 v3, $0x3  }
0x53: {  	v4 =	vmul.u32 $0x30, v59  }
0x54: {  	v3 =	vand.u32 $0x7, v3  }
0x55: {  	v3 =	vor.u32 v3, v4  }
0x56: {  	v4 =	vperm.xlane v3, v0;
	_ =	sdelay $0x1  }
0x57: {  	v4 =	vadd.s32 v1, v4;
	_ =	sdelay $0x3  }
0x58: {  	v3 =	vperm.xlane v3, v2  }
0x59: {  	[tilespmem:s28], [sflag:$0x1] =	stream.indirect_vreg.gather [hbm4b:s3+s2], $0x80, v4, vm0, $0xb8;
	[tilespmem:$0xC080] =	vst v63  }
0x5a: {  	v3 =	vadd.s32 v1, v3  }
0x5b: {  	[tilespmem:s29], [sflag:$0x1] =	stream.indirect_vreg.gather [hbm4b:s4+s2], $0x80, v4, vm0, $0xb8;
	[tilespmem:$0xC080] =	vst v63  }
0x5c: {  	_ = 	snop  }
0x5d: {  	[tilespmem:s30], [sflag:$0x1] =	stream.indirect_vreg.gather [hbm4b:s5+s2], $0x80, v4, vm0, $0xb8;
	[tilespmem:$0xC080] =	vst v63  }
0x5e: {  	_ = 	snop  }
0x5f: {  	[tilespmem:s31], [sflag:$0x1] =	stream.indirect_vreg.gather [hbm4b:s3+s2], $0x80, v3, vm0, $0xb8;
	[tilespmem:$0xC080] =	vst v63  }
0x60: {  	s8 =	simm.s32 $0xB080  }
0x61: {  	[tilespmem:s8], [sflag:$0x1] =	stream.indirect_vreg.gather [hbm4b:s4+s2], $0x80, v3, vm0, $0xb8;
	[tilespmem:$0xC080] =	vst v63  }
0x62: {  	s8 =	simm.s32 $0xB880  }
0x63: {  	[tilespmem:s8], [sflag:$0x1] =	stream.indirect_vreg.gather [hbm4b:s5+s2], $0x80, v3, vm0, $0xb8;
	[tilespmem:$0xC080] =	vst v63  }
0x64: {  	_ =	swait.ge [sflag:s0], $0xC000  }
0x65: {  	[sflag:s0] =	ssyncset.done $0x0  }
0x66: {  	s9 =	rddreg [dreg:$0x4];
	[sflag:s0] =	ssyncadd.s32 $0xFFFF4000  }
0x67: {  	[hbm4b:s9+s2] =	stream.linear.scatter [tilespmem:s1], [sflag:$0x2], $0xC000, $0x38;
	[tilespmem:$0xC080] =	vst v63  }
0x68: {  	_ =	swait.ge [sflag:s7], $0xC000  }
0x69: {  	[sflag:s7] =	ssyncset.done $0x0  }
0x6a: {  	s9 =	rddreg [dreg:$0x5];
	[sflag:s7] =	ssyncadd.s32 $0xFFFF4000  }
0x6b: {  	[tilespmem:s2], [sflag:$0x2] =	stream.linear.gather [hbm4b:s9+s2], $0x40, $0x38;
	[tilespmem:$0xC080] =	vst v63  }
0x6c: {  	_ =	swait.ge [sflag:s7], $0x40  }
0x6d: {  	[sflag:s7] =	ssyncset.done $0x0  }
0x6e: {  	[sflag:s7] =	ssyncadd.s32 $0xFFFFFFC0  }
0x6f: {  	v3 =	vld [tilespmem:$0x0];
	_ =	sdelay $0x4  }
0x70: {  	v60 =	vshrl.u32 v3, $0x3  }
0x71: {  	v4 =	vmul.u32 $0x30, v60  }
0x72: {  	v3 =	vand.u32 $0x7, v3  }
0x73: {  	v3 =	vor.u32 v3, v4  }
0x74: {  	v4 =	vperm.xlane v3, v0;
	_ =	sdelay $0x1  }
0x75: {  	v4 =	vadd.s32 v1, v4;
	_ =	sdelay $0x3  }
0x76: {  	v3 =	vperm.xlane v3, v2  }
0x77: {  	[tilespmem:s1], [sflag:$0x1] =	stream.indirect_vreg.gather [hbm4b:s3+s2], $0x80, v4, vm0, $0xb8;
	[tilespmem:$0xC080] =	vst v63  }
0x78: {  	v3 =	vadd.s32 v1, v3  }
0x79: {  	[tilespmem:s10], [sflag:$0x1] =	stream.indirect_vreg.gather [hbm4b:s4+s2], $0x80, v4, vm0, $0xb8;
	[tilespmem:$0xC080] =	vst v63  }
0x7a: {  	_ = 	snop  }
0x7b: {  	[tilespmem:s11], [sflag:$0x1] =	stream.indirect_vreg.gather [hbm4b:s5+s2], $0x80, v4, vm0, $0xb8;
	[tilespmem:$0xC080] =	vst v63  }
0x7c: {  	_ = 	snop  }
0x7d: {  	[tilespmem:s12], [sflag:$0x1] =	stream.indirect_vreg.gather [hbm4b:s3+s2], $0x80, v3, vm0, $0xb8;
	[tilespmem:$0xC080] =	vst v63  }
0x7e: {  	_ = 	snop  }
0x7f: {  	[tilespmem:s13], [sflag:$0x1] =	stream.indirect_vreg.gather [hbm4b:s4+s2], $0x80, v3, vm0, $0xb8;
	[tilespmem:$0xC080] =	vst v63  }
0x80: {  	_ = 	snop  }
0x81: {  	[tilespmem:s14], [sflag:$0x1] =	stream.indirect_vreg.gather [hbm4b:s5+s2], $0x80, v3, vm0, $0xb8;
	[tilespmem:$0xC080] =	vst v63  }
0x82: {  	v3 =	vld [tilespmem:$0x10];
	_ =	sdelay $0x4  }
0x83: {  	v61 =	vshrl.u32 v3, $0x3  }
0x84: {  	v4 =	vmul.u32 $0x30, v61  }
0x85: {  	v3 =	vand.u32 $0x7, v3  }
0x86: {  	v3 =	vor.u32 v3, v4  }
0x87: {  	v4 =	vperm.xlane v3, v0;
	_ =	sdelay $0x1  }
0x88: {  	v4 =	vadd.s32 v1, v4;
	_ =	sdelay $0x3  }
0x89: {  	v3 =	vperm.xlane v3, v2  }
0x8a: {  	[tilespmem:s15], [sflag:$0x1] =	stream.indirect_vreg.gather [hbm4b:s3+s2], $0x80, v4, vm0, $0xb8;
	[tilespmem:$0xC080] =	vst v63  }
0x8b: {  	v3 =	vadd.s32 v1, v3  }
0x8c: {  	[tilespmem:s16], [sflag:$0x1] =	stream.indirect_vreg.gather [hbm4b:s4+s2], $0x80, v4, vm0, $0xb8;
	[tilespmem:$0xC080] =	vst v63  }
0x8d: {  	_ = 	snop  }
0x8e: {  	[tilespmem:s17], [sflag:$0x1] =	stream.indirect_vreg.gather [hbm4b:s5+s2], $0x80, v4, vm0, $0xb8;
	[tilespmem:$0xC080] =	vst v63  }
0x8f: {  	_ = 	snop  }
0x90: {  	[tilespmem:s18], [sflag:$0x1] =	stream.indirect_vreg.gather [hbm4b:s3+s2], $0x80, v3, vm0, $0xb8;
	[tilespmem:$0xC080] =	vst v63  }
0x91: {  	_ = 	snop  }
0x92: {  	[tilespmem:s19], [sflag:$0x1] =	stream.indirect_vreg.gather [hbm4b:s4+s2], $0x80, v3, vm0, $0xb8;
	[tilespmem:$0xC080] =	vst v63  }
0x93: {  	_ = 	snop  }
0x94: {  	[tilespmem:s20], [sflag:$0x1] =	stream.indirect_vreg.gather [hbm4b:s5+s2], $0x80, v3, vm0, $0xb8;
	[tilespmem:$0xC080] =	vst v63  }
0x95: {  	v3 =	vld [tilespmem:$0x20];
	_ =	sdelay $0x4  }
0x96: {  	v62 =	vshrl.u32 v3, $0x3  }
0x97: {  	v4 =	vmul.u32 $0x30, v62  }
0x98: {  	v3 =	vand.u32 $0x7, v3  }
0x99: {  	v3 =	vor.u32 v3, v4  }
0x9a: {  	v4 =	vperm.xlane v3, v0;
	_ =	sdelay $0x1  }
0x9b: {  	v4 =	vadd.s32 v1, v4;
	_ =	sdelay $0x3  }
0x9c: {  	v3 =	vperm.xlane v3, v2  }
0x9d: {  	[tilespmem:s21], [sflag:$0x1] =	stream.indirect_vreg.gather [hbm4b:s3+s2], $0x80, v4, vm0, $0xb8;
	[tilespmem:$0xC080] =	vst v63  }
0x9e: {  	v3 =	vadd.s32 v1, v3  }
0x9f: {  	[tilespmem:s22], [sflag:$0x1] =	stream.indirect_vreg.gather [hbm4b:s4+s2], $0x80, v4, vm0, $0xb8;
	[tilespmem:$0xC080] =	vst v63  }
0xa0: {  	_ = 	snop  }
0xa1: {  	[tilespmem:s23], [sflag:$0x1] =	stream.indirect_vreg.gather [hbm4b:s5+s2], $0x80, v4, vm0, $0xb8;
	[tilespmem:$0xC080] =	vst v63  }
0xa2: {  	_ = 	snop  }
0xa3: {  	[tilespmem:s24], [sflag:$0x1] =	stream.indirect_vreg.gather [hbm4b:s3+s2], $0x80, v3, vm0, $0xb8;
	[tilespmem:$0xC080] =	vst v63  }
0xa4: {  	_ = 	snop  }
0xa5: {  	[tilespmem:s25], [sflag:$0x1] =	stream.indirect_vreg.gather [hbm4b:s4+s2], $0x80, v3, vm0, $0xb8;
	[tilespmem:$0xC080] =	vst v63  }
0xa6: {  	_ = 	snop  }
0xa7: {  	[tilespmem:s26], [sflag:$0x1] =	stream.indirect_vreg.gather [hbm4b:s5+s2], $0x80, v3, vm0, $0xb8;
	[tilespmem:$0xC080] =	vst v63  }
0xa8: {  	v3 =	vld [tilespmem:$0x30];
	_ =	sdelay $0x4  }
0xa9: {  	v63 =	vshrl.u32 v3, $0x3  }
0xaa: {  	v4 =	vmul.u32 $0x30, v63  }
0xab: {  	v3 =	vand.u32 $0x7, v3  }
0xac: {  	v3 =	vor.u32 v3, v4  }
0xad: {  	v4 =	vperm.xlane v3, v0;
	_ =	sdelay $0x1  }
0xae: {  	v4 =	vadd.s32 v1, v4;
	_ =	sdelay $0x3  }
0xaf: {  	v3 =	vperm.xlane v3, v2  }
0xb0: {  	[tilespmem:s28], [sflag:$0x1] =	stream.indirect_vreg.gather [hbm4b:s3+s2], $0x80, v4, vm0, $0xb8;
	[tilespmem:$0xC080] =	vst v63  }
0xb1: {  	v3 =	vadd.s32 v1, v3  }
0xb2: {  	[tilespmem:s29], [sflag:$0x1] =	stream.indirect_vreg.gather [hbm4b:s4+s2], $0x80, v4, vm0, $0xb8;
	[tilespmem:$0xC080] =	vst v63  }
0xb3: {  	_ = 	snop  }
0xb4: {  	[tilespmem:s30], [sflag:$0x1] =	stream.indirect_vreg.gather [hbm4b:s5+s2], $0x80, v4, vm0, $0xb8;
	[tilespmem:$0xC080] =	vst v63  }
0xb5: {  	_ = 	snop  }
0xb6: {  	[tilespmem:s31], [sflag:$0x1] =	stream.indirect_vreg.gather [hbm4b:s3+s2], $0x80, v3, vm0, $0xb8;
	[tilespmem:$0xC080] =	vst v63  }
0xb7: {  	s9 =	simm.s32 $0xB080  }
0xb8: {  	[tilespmem:s9], [sflag:$0x1] =	stream.indirect_vreg.gather [hbm4b:s4+s2], $0x80, v3, vm0, $0xb8;
	[tilespmem:$0xC080] =	vst v63  }
0xb9: {  	_ = 	snop  }
0xba: {  	[tilespmem:s8], [sflag:$0x1] =	stream.indirect_vreg.gather [hbm4b:s5+s2], $0x80, v3, vm0, $0xb8;
	[tilespmem:$0xC080] =	vst v63  }
0xbb: {  	_ =	swait.ge [sflag:s0], $0xC000  }
0xbc: {  	p0 =	sne.s32 s6, $0x1;
	[sflag:s0] =	ssyncset.done $0x0  }
.Ltmp0:
0xbd: {  	s8 =	rddreg [dreg:$0x6];
	[sflag:s0] =	ssyncadd.s32 $0xFFFF4000;
	(pc) =	sbr.rel @p0 .LBB2_1-.Ltmp0, $4  }
0xbe: {  	[hbm4b:s8+s2] =	stream.linear.scatter [tilespmem:s1], [sflag:$0x2], $0xC000, $0x38;
	[tilespmem:$0xC080] =	vst v63  }
0xbf: {  	_ =	swait.ge [sflag:s7], $0xC000  }
0xc0: {  	[sflag:s7] =	ssyncset.done $0x0  }
0xc1: {  	s6 =	sadd.s32 $0xFFFFFFFF, s6;
	[sflag:s7] =	ssyncadd.s32 $0xFFFF4000  }
0xc2: {  	_ =	sfence.sel $0x180000  }
0xc3: {  	[bflag:$0x0] =	sbarrier.arrive $0xFFFF  }
0xc4: {  	_ =	strace $0x9000004A  }
0xc5: {  	s0 =	stileid.u32;
	[bflag:$0x2] =	sbarrier.arrive $0xFFFF  }
0xc6: {  	p0 =	sne.s32 s0, $0x0;
	s0 =	rddreg [dreg:$0x2]  }
0xc7: {  	s0 =	sadd.s32 @!p0 $0x100000, s0  }
0xc8: {  	[sflag:s0] =	ssyncadd.tile.s32 @!p0 $0x1;
	_ =	shalt  }
.Lfunc_end2:
_tile_overlayer_lowered:
.L_overlay_start_2:
0xc9: {  	(tag) =	ssettag $0x2  }
0xca: {  	s0 =	rddreg [dreg:$0x0];
	s2 =	stileid.u32  }
0xcb: {  	s1 =	rddreg [dreg:$0x1];
	p0 =	sne.s32 s2, $0x0  }
0xcc: {  	s3 =	rddreg [dreg:$0x2];
	[bflag:$0x3] =	sbarrier.arrive $0xFFFF;
	s2 =	simm.s32 @!p0 $0x1C02  }
0xcd: {  	[timem:s3], [sflag:s2] =	dma.local @!p0 [hbm:s0], s1  }
0xce: {  	s0 =	simm.s32 @!p0 $0x2  }
0xcf: {  	_ =	swait.ge @!p0 [sflag:s0], s1  }
0xd0: {  	s1 =	ssub.s32 @!p0 $0x0, s1;
	[sflag:s0] =	ssyncset.done @!p0 $0x0  }
0xd1: {  	[sflag:s0] =	ssyncadd.s32 @!p0 s1  }
0xd2: {  	[bflag:$0x3] =	sbarrier.arrive $0xFFFF  }
0xd3: {  	_ =	shalt  }

// kernel: kernel.7.cloned.1.call-start
scs
__scs_entry_jumppad:
0x0: {  	(pc) =	sbr.rel $0x88, $3  }
0x1: {  	(tag) =	ssettag $0x0;
	lr =	simm.s32 $0x1  }
0x2: {  	[smem:$0x3F9C] =	sst lr;
	_ =	strace $0xD0000000  }
0x3: {  	_ = 	snop  }
0x4: {  	_ = 	snop  }
0x5: {  	_ = 	snop  }
0x6: {  	_ = 	snop  }
0x7: {  	_ = 	snop  }
__scs_overlays_trampoline_lowered:
0x8: {  	[smem:$0x3FAB] =	sst s0  }
0x9: {  	[smem:$0x3FAC] =	sst s1  }
0xa: {  	[smem:$0x3FAD] =	sst s2  }
0xb: {  	[smem:$0x3FAE] =	sst s3  }
0xc: {  	[smem:$0x3FAF] =	sst s4  }
0xd: {  	[smem:$0x3FB0] =	sst s5  }
0xe: {  	[smem:$0x3FB1] =	sst s6  }
0xf: {  	[smem:$0x3FB2] =	sst s7  }
0x10: {  	[smem:$0x3FB3] =	sst s8  }
0x11: {  	[smem:$0x3FB4] =	sst s9;
	s0 =	simm.s32 @!p0 $0x0  }
0x12: {  	s1 =	sld [smem:$0x3F9A];
	s0 =	simm.s32 @p0 $0x1  }
0x13: {  	[smem:$0x3FB5] =	sst s0;
	s0 =	simm.s32 @!p1 $0x0  }
0x14: {  	s2 =	sld [smem:$0x3F99];
	s0 =	simm.s32 @p1 $0x1  }
0x15: {  	[smem:$0x3FB6] =	sst s0;
	s0 =	simm.s32 @!p2 $0x0  }
0x16: {  	s3 =	sld [smem:$0x3FDB];
	s0 =	simm.s32 @p2 $0x1  }
0x17: {  	s4 =	simm.s32 $0x1BF5;
	[smem:$0x3FB8] =	sst s0  }
0x18: {  	s0 =	sld [smem:$0x3F9B];
	_ =	swait.ge [sflag:s4], $0x0  }
0x19: {  	s7 =	sld [smem:$0x3F9C]  }
0x1a: {  	s8 =	sadd.s32 $0xFFFFE003, lr  }
0x1b: {  	s9 =	sadd.s32 $0xFFFFFEF7, lr;
	s5 =	simm.s32 $0xFFFFFFFF;
	p2 =	slt.u32 s8, $0xFFFFF086  }
0x1c: {  	p1 =	slt.u32 s9, $0xF7A;
	s5 =	simm.s32 @!p2 $0x0  }
0x1d: {  	s5 =	simm.s32 @p1 $0x1;
	p0 =	seq.s32 s7, s2  }
0x1e: {  	s7 =	smul.u32 @!p0 $0xF7A, s2;
	p2 =	seq.s32 @!p0 s5, $0x0  }
0x1f: {  	s9 =	smul.u32 $0xF7A, s1;
	s8 =	simm.s32 @!p0 $0x1BF5;
	p2 =	por !p2, p0  }
0x20: {  	[sflag:s8] =	ssyncset.s32 @!p0 $0xFFFFF086;
	s6 =	sadd.s32 @!p0 s3, s7;
	s7 =	simm.s32 @!p0 $0x108  }
0x21: {  	s3 =	sadd.s32 s3, s9;
	s6 =	sadd.s32 @!p0 $0x88, s6;
	s7 =	simm.s32 @p2 $0x1082  }
0x22: {  	[simem:s7], [sflag:s8] =	dma.local @!p0 [hbm:s6], $0xF7A  }
0x23: {  	s9 =	sor.u32 $0xD0000000, s2;
	s6 =	simm.s32 $0x108;
	_ =	swait.ge @!p0 [sflag:s8], $0x0  }
0x24: {  	s3 =	sadd.s32 $0x88, s3;
	s6 =	simm.s32 @!p1 $0x1082;
	[sflag:s4] =	ssyncset.s32 $0xFFFFF086  }
0x25: {  	[simem:s6], [sflag:s4] =	dma.local [hbm:s3], $0xF7A  }
0x26: {  	[smem:$0x3F9C] =	sst s1;
	(tag) =	ssettag s2;
	_ =	strace s9  }
0x27: {  	s1 =	sld [smem:$0x3FAC]  }
0x28: {  	s2 =	sld [smem:$0x3FAD]  }
0x29: {  	s4 =	sld [smem:$0x3FAF]  }
0x2a: {  	p0 =	seq.s32 s5, $0x0;
	s5 =	sld [smem:$0x3FB0]  }
0x2b: {  	s6 =	sld [smem:$0x3FB1]  }
0x2c: {  	s7 =	sld [smem:$0x3FB2]  }
0x2d: {  	s3 =	simm.s32 $0x108;
	s8 =	sld [smem:$0x3FB3]  }
0x2e: {  	s3 =	simm.s32 @!p0 $0x1082;
	s9 =	sld [smem:$0x3FB4]  }
0x2f: {  	lr =	sadd.s32 s0, s3;
	s0 =	sld [smem:$0x3FAB]  }
0x30: {  	s3 =	sld [smem:$0x3FAE]  }
0x31: {  	[smem:$0x3FB7] =	sst s10  }
0x32: {  	s10 =	sld [smem:$0x3FB5];
	_ =	sdelay $0x3  }
0x33: {  	p0 =	seq.s32 s10, $0x1;
	s10 =	sld [smem:$0x3FB7];
	_ =	sdelay $0x3  }
0x34: {  	[smem:$0x3FB7] =	sst s10  }
0x35: {  	s10 =	sld [smem:$0x3FB6];
	_ =	sdelay $0x3  }
0x36: {  	p1 =	seq.s32 s10, $0x1;
	s10 =	sld [smem:$0x3FB7];
	_ =	sdelay $0x3  }
0x37: {  	[smem:$0x3FB7] =	sst s10  }
0x38: {  	s10 =	sld [smem:$0x3FB8]  }
0x39: {  	_ = 	snop;
	(pc) =	sbr.ind lr, $3  }
0x3a: {  	_ = 	snop  }
0x3b: {  	_ = 	snop  }
0x3c: {  	p2 =	seq.s32 s10, $0x1;
	s10 =	sld [smem:$0x3FB7]  }
0x3d: {  	_ =	shalt  }
0x3e: {  	_ =	shalt  }
0x3f: {  	_ =	shalt  }
0x40: {  	_ =	shalt  }
0x41: {  	_ =	shalt  }
0x42: {  	_ =	shalt  }
0x43: {  	_ =	shalt  }
0x44: {  	_ =	shalt  }
0x45: {  	_ =	shalt  }
0x46: {  	_ =	shalt  }
0x47: {  	_ =	shalt  }
0x48: {  	_ =	shalt  }
0x49: {  	_ =	shalt  }
0x4a: {  	_ =	shalt  }
0x4b: {  	_ =	shalt  }
0x4c: {  	_ =	shalt  }
0x4d: {  	_ =	shalt  }
0x4e: {  	_ =	shalt  }
0x4f: {  	_ =	shalt  }
0x50: {  	_ =	shalt  }
0x51: {  	_ =	shalt  }
0x52: {  	_ =	shalt  }
0x53: {  	_ =	shalt  }
0x54: {  	_ =	shalt  }
0x55: {  	_ =	shalt  }
0x56: {  	_ =	shalt  }
0x57: {  	_ =	shalt  }
0x58: {  	_ =	shalt  }
0x59: {  	_ =	shalt  }
0x5a: {  	_ =	shalt  }
0x5b: {  	_ =	shalt  }
0x5c: {  	_ =	shalt  }
0x5d: {  	_ =	shalt  }
0x5e: {  	_ =	shalt  }
0x5f: {  	_ =	shalt  }
0x60: {  	_ =	shalt  }
0x61: {  	_ =	shalt  }
0x62: {  	_ =	shalt  }
0x63: {  	_ =	shalt  }
0x64: {  	_ =	shalt  }
0x65: {  	_ =	shalt  }
0x66: {  	_ =	shalt  }
0x67: {  	_ =	shalt  }
0x68: {  	_ =	shalt  }
0x69: {  	_ =	shalt  }
0x6a: {  	_ =	shalt  }
0x6b: {  	_ =	shalt  }
0x6c: {  	_ =	shalt  }
0x6d: {  	_ =	shalt  }
0x6e: {  	_ =	shalt  }
0x6f: {  	_ =	shalt  }
0x70: {  	_ =	shalt  }
0x71: {  	_ =	shalt  }
0x72: {  	_ =	shalt  }
0x73: {  	_ =	shalt  }
0x74: {  	_ =	shalt  }
0x75: {  	_ =	shalt  }
0x76: {  	_ =	shalt  }
0x77: {  	_ =	shalt  }
0x78: {  	_ =	shalt  }
0x79: {  	_ =	shalt  }
0x7a: {  	_ =	shalt  }
0x7b: {  	_ =	shalt  }
0x7c: {  	_ =	shalt  }
0x7d: {  	_ =	shalt  }
0x7e: {  	_ =	shalt  }
0x7f: {  	_ =	shalt  }
0x80: {  	_ =	shalt  }
0x81: {  	_ =	shalt  }
0x82: {  	_ =	shalt  }
0x83: {  	_ =	shalt  }
0x84: {  	_ =	shalt  }
0x85: {  	_ =	shalt  }
0x86: {  	_ =	shalt  }
0x87: {  	_ =	shalt  }
.Lfunc_end0:
.L_simem_size_0:
called_computation_lowered:
.L_overlay_start_0:
0x88: {  	s2 =	sld [smem:$0x3FD9]  }
0x89: {  	s3 =	sld [smem:$0x3FFE];
	_ =	sdelay $0x1  }
0x8a: {  	s1 =	srdreg.scid  }
0x8b: {  	s0 =	sand.u32 $0x1, s1  }
0x8c: {  	s14 =	sshll.u32 s0, $0xA;
	s2 =	sadd.s32 s3, s2  }
0x8d: {  	s2 =	sadd.s32 s2, s14  }
0x8e: {  	[smem:$0x3FC3] =	sst s2  }
0x8f: {  	_ = 	snop  }
0x90: {  	s2 =	sld [smem:$0x3FD0];
	_ =	sdelay $0x2  }
0x91: {  	s4 =	simm.s32 $0xA;
	s5 =	simm.s32 $0x10;
	s15 =	sld [smem:$0x3FC9]  }
0x92: {  	[smem:s5], [sflag:s4] =	dma.local [hbm:s2], $0x1  }
0x93: {  	_ =	swait.eq [sflag:s4], $0x1  }
0x94: {  	[sflag:s4] =	ssyncset.done $0x0  }
0x95: {  	[sflag:s4] =	ssyncadd.s32 $0xFFFFFFFF  }
0x96: {  	s16 =	sld [smem:$0x10];
	(tm) =	ssettm $0x1  }
0x97: {  	s17 =	sld [smem:$0x3FFB];
	_ =	sdelay $0x3  }
0x98: {  	_ =	strace s17  }
0x99: {  	s4 =	sld [smem:$0x3FFC];
	_ =	sdelay $0x3  }
0x9a: {  	_ =	strace s4  }
0x9b: {  	s4 =	sld [smem:$0x3FFD];
	_ =	sdelay $0x3  }
0x9c: {  	_ =	strace s4  }
0x9d: {  	_ =	strace $0x8FFFFFFF  }
0x9e: {  	s18 =	sld [smem:$0x3FDB];
	_ =	sdelay $0x1  }
0x9f: {  	s19 =	simm.s32 $_scs_section_size  }
0xa0: {  	s6 =	simm.s32 $_size__tile_overlayer_lowered;
	s7 =	simm.s32 $_tile_overlayer_lowered  }
0xa1: {  	s22 =	simm.s32 $0x1BFF;
	s21 =	sshll.u32 s7, $0x1;
	s4 =	sadd.s32 s19, s18  }
0xa2: {  	s8 =	simm.s32 $0x0;
	s20 =	sshll.u32 s6, $0x1;
	s6 =	sadd.s32 s21, s4  }
0xa3: {  	[timem:s8], [sflag:s22] =	dma.local [hbm:s6], s20  }
0xa4: {  	_ =	swait.ge [sflag:s22], s20  }
0xa5: {  	s5 =	ssub.s32 $0x0, s20;
	[sflag:s22] =	ssyncset.done $0x0  }
0xa6: {  	[sflag:s22] =	ssyncadd.s32 s5;
	_ =	sdelay $0x1  }
0xa7: {  	s23 =	simm.s32 $0x1B8B  }
0xa8: {  	_ =	swait.ge [sflag:s23], $0x1  }
0xa9: {  	[sflag:s23] =	ssyncset.done $0x0  }
0xaa: {  	s25 =	simm.s32 $0x1B8E;
	s24 =	sld [smem:$0x3FFE];
	[sflag:s23] =	ssyncadd.s32 $0xFFFFFFFF  }
0xab: {  	s26 =	simm.s32 $execute0_lowered;
	[smem:$0x3FD2] =	sst s25  }
0xac: {  	s6 =	sshll.u32 s26, $0x1;
	_ =	strace $0x80000046;
	[dreg:$0x1] =	wrdreg $0xFFFFFFFF  }
0xad: {  	s28 =	simm.s32 $_size_execute0_lowered;
	s4 =	sadd.s32 s4, s6;
	[dreg:$0x0] =	wrdreg $0x0  }
0xae: {  	s6 =	sshll.u32 s28, $0x1;
	[dreg:$0x2] =	wrdreg s4  }
0xaf: {  	[dreg:$0x3] =	wrdreg s6  }
0xb0: {  	[dreg:$0x4] =	wrdreg $0xC0  }
0xb1: {  	_ =	task [dreg:s8], $0x5FFFF  }
0xb2: {  	[dreg:$0x1] =	wrdreg $0xFFFFFFFF  }
0xb3: {  	[dreg:$0x0] =	wrdreg $0x60  }
0xb4: {  	[dreg:$0x2] =	wrdreg s15  }
0xb5: {  	[dreg:$0x3] =	wrdreg s16  }
0xb6: {  	[dreg:$0x4] =	wrdreg s24  }
0xb7: {  	[dreg:$0x5] =	wrdreg $0x9  }
0xb8: {  	_ =	task.clear_ibuf [dreg:s8], $0x6FFFF;
	_ =	strace $0x90000046  }
0xb9: {  	s29 =	simm.s32 $0x9;
	_ =	strace $0x80000048  }
0xba: {  	_ =	swait.ge [sflag:s29], $0x1  }
0xbb: {  	[sflag:s29] =	ssyncadd.s32 $0xFFFFFFFF  }
0xbc: {  	_ =	strace $0x90000048  }
0xbd: {  	_ =	sfence  }
0xbe: {  	s30 =	sld [smem:$0x0];
	_ =	sdelay $0x2  }
0xbf: {  	s31 =	sshll.u32 s1, $0xD;
	s1 =	sshrl.u32 s1, $0x2  }
0xc0: {  	s3 =	sand.u32 $0x4000, s31;
	s1 =	sadd.s32 s1, s30  }
0xc1: {  	s0 =	sor.u32 s3, s0;
	s1 =	sshll.u32 s1, $0x11  }
0xc2: {  	s0 =	sor.u32 s1, s0  }
0xc3: {  	s0 =	sadd.s32 $0x8F2B, s0  }
0xc4: {  	[sflag:s0] =	ssyncadd.remote.s32 $0x1  }
0xc5: {  	_ =	sfence.sel $0xFFFF  }
0xc6: {  	[dreg:$0x0] =	wrdreg $0xFFFFFFFF;
	(pc) =	sbr.abs _section_cstart, $3  }
0xc7: {  	[dreg:$0x1] =	wrdreg $0xFFFFFFFF  }
0xc8: {  	_ =	task.clear_ibuf [dreg:s8], $0x2FFFF;
	_ =	strace $0x9FFFFFFF  }
0xc9: {  	(tm) =	ssettm $0x7FFFFFFF  }
tec
execute0_lowered:
.L_overlay_start_1:
0x0: {  	(tag) =	ssettag $0x1  }
0x1: {  	s1 =	rddreg [dreg:$0x0]  }
0x2: {  	s0 =	rddreg [dreg:$0x1]  }
0x3: {  	s2 =	rddreg [dreg:$0x2];
	s4 =	srdreg.scid;
	s3 =	simm.s32 $0x0  }
0x4: {  	s5 =	stileid.u32;
	s26 =	simm.s32 $0x80;
	s15 =	simm.s32 $0x1  }
0x5: {  	s18 =	simm.s32 $0x1100;
	s19 =	simm.s32 $0x1900;
	s20 =	simm.s32 $0x2100  }
0x6: {  	s21 =	simm.s32 $0x2900;
	s22 =	simm.s32 $0x3100;
	s23 =	simm.s32 $0x3900  }
0x7: {  	s28 =	simm.s32 $0x5900;
	s29 =	simm.s32 $0x6100;
	s30 =	simm.s32 $0x6900  }
0x8: {  	s31 =	simm.s32 $0x7100;
	s11 =	simm.s32 $0x8900;
	s12 =	simm.s32 $0x9100  }
0x9: {  	s13 =	simm.s32 $0x9900;
	s14 =	simm.s32 $0xA100;
	s10 =	simm.s32 $0xA900  }
0xa: {  	s4 =	sand.u32 $0x1, s4;
	[smem:$0x7FF] =	sst s3;
	s5 =	sshll.u32 s5, $0x5  }
0xb: {  	s8 =	sadd.s32 $0x3400, s2;
	s6 =	sshll.u32 s4, $0x4;
	_ =	strace $0x80000047  }
0xc: {  	s7 =	ssub.s32 $0x2, s4;
	s4 =	sadd.s32 $0x3200, s2;
	[dreg:$0x6] =	wrdreg s26  }
0xd: {  	s26 =	simm.s32 $0x5100;
	s5 =	sor.u32 s6, s5;
	s24 =	sshrl.u32 s7, $0x1  }
0xe: {  	s6 =	sadd.s32 s5, s2;
	s0 =	sadd.s32 s0, s5;
	s9 =	ssub.s32 s7, s24  }
0xf: {  	v2 =	vlaneseq.u32;
	s5 =	sadd.s32 $0x100, s1;
	s7 =	sadd.s32 $0x3300, s2;
	s24 =	simm.s32 $0x4100  }
0x10: {  	vm0 =	vmmov $0xffff;
	v1 =	vshrl.u32 v2, $0x3;
	[dreg:$0x4] =	wrdreg s0;
	s25 =	sadd.s32 $0x3000, s6;
	s6 =	sadd.s32 $0x200, s1  }
0x11: {  	v0 =	vand.u32 $0x7, v2;
	v2 =	vor.u32 $0x8, v2;
	v1 =	vmul.u32 $0x8, v1;
	s9 =	smax.u32 s9, $0x1;
	[dreg:$0x5] =	wrdreg s25;
	s25 =	simm.s32 $0x4900  }
.LBB2_1:
0x12: {  	s16 =	rddreg [dreg:$0x4];
	s0 =	simm.s32 $0x2  }
0x13: {  	[tilespmem:s3], [sflag:$0x2] =	stream.linear.gather [hbm4b:s16+s3], $0x80, $0x38;
	[tilespmem:$0x18100] =	vst v63  }
0x14: {  	_ =	swait.ge [sflag:s0], $0x80  }
0x15: {  	s2 =	rddreg [dreg:$0x5];
	[sflag:s0] =	ssyncset.done $0x0  }
0x16: {  	s17 =	rddreg [dreg:$0x6];
	[sflag:s0] =	ssyncadd.s32 $0xFFFFFF80  }
0x17: {  	[tilespmem:s17], [sflag:$0x2] =	stream.linear.gather [hbm4b:s2+s3], $0x80, $0x38;
	[tilespmem:$0x18100] =	vst v63  }
0x18: {  	_ =	swait.ge [sflag:s0], $0x80  }
0x19: {  	[sflag:s0] =	ssyncset.done $0x0  }
0x1a: {  	[sflag:s0] =	ssyncadd.s32 $0xFFFFFF80  }
0x1b: {  	v3 =	vld [tilespmem:$0x80];
	_ =	sdelay $0x4  }
0x1c: {  	v4 =	vshrl.u32 v3, $0x3  }
0x1d: {  	v4 =	vmul.u32 $0x30, v4  }
0x1e: {  	v3 =	vand.u32 $0x7, v3  }
0x1f: {  	v3 =	vor.u32 v3, v4  }
0x20: {  	v4 =	vperm.xlane v3, v0;
	_ =	sdelay $0x1  }
0x21: {  	v4 =	vadd.s32 v1, v4;
	_ =	sdelay $0x3  }
0x22: {  	s16 =	simm.s32 $0x100;
	v3 =	vperm.xlane v3, v2  }
0x23: {  	[tilespmem:s16], [sflag:$0x1] =	stream.indirect_vreg.gather [hbm4b:s1+s3], $0x80, v4, vm0, $0xb8;
	[tilespmem:$0x18100] =	vst v63  }
0x24: {  	s17 =	simm.s32 $0x900;
	v3 =	vadd.s32 v1, v3  }
0x25: {  	[tilespmem:s17], [sflag:$0x1] =	stream.indirect_vreg.gather [hbm4b:s5+s3], $0x80, v4, vm0, $0xb8;
	[tilespmem:$0x18100] =	vst v63  }
0x26: {  	_ = 	snop  }
0x27: {  	[tilespmem:s18], [sflag:$0x1] =	stream.indirect_vreg.gather [hbm4b:s6+s3], $0x80, v4, vm0, $0xb8;
	[tilespmem:$0x18100] =	vst v63  }
0x28: {  	_ = 	snop  }
0x29: {  	[tilespmem:s19], [sflag:$0x1] =	stream.indirect_vreg.gather [hbm4b:s1+s3], $0x80, v3, vm0, $0xb8;
	[tilespmem:$0x18100] =	vst v63  }
0x2a: {  	_ = 	snop  }
0x2b: {  	[tilespmem:s20], [sflag:$0x1] =	stream.indirect_vreg.gather [hbm4b:s5+s3], $0x80, v3, vm0, $0xb8;
	[tilespmem:$0x18100] =	vst v63  }
0x2c: {  	_ = 	snop  }
0x2d: {  	[tilespmem:s21], [sflag:$0x1] =	stream.indirect_vreg.gather [hbm4b:s6+s3], $0x80, v3, vm0, $0xb8;
	[tilespmem:$0x18100] =	vst v63  }
0x2e: {  	v3 =	vld [tilespmem:$0x90];
	_ =	sdelay $0x4  }
0x2f: {  	v49 =	vshrl.u32 v3, $0x3  }
0x30: {  	v4 =	vmul.u32 $0x30, v49  }
0x31: {  	v3 =	vand.u32 $0x7, v3  }
0x32: {  	v3 =	vor.u32 v3, v4  }
0x33: {  	v4 =	vperm.xlane v3, v0;
	_ =	sdelay $0x1  }
0x34: {  	v4 =	vadd.s32 v1, v4;
	_ =	sdelay $0x3  }
0x35: {  	v3 =	vperm.xlane v3, v2  }
0x36: {  	[tilespmem:s22], [sflag:$0x1] =	stream.indirect_vreg.gather [hbm4b:s1+s3], $0x80, v4, vm0, $0xb8;
	[tilespmem:$0x18100] =	vst v63  }
0x37: {  	v3 =	vadd.s32 v1, v3  }
0x38: {  	[tilespmem:s23], [sflag:$0x1] =	stream.indirect_vreg.gather [hbm4b:s5+s3], $0x80, v4, vm0, $0xb8;
	[tilespmem:$0x18100] =	vst v63  }
0x39: {  	_ = 	snop  }
0x3a: {  	[tilespmem:s24], [sflag:$0x1] =	stream.indirect_vreg.gather [hbm4b:s6+s3], $0x80, v4, vm0, $0xb8;
	[tilespmem:$0x18100] =	vst v63  }
0x3b: {  	_ = 	snop  }
0x3c: {  	[tilespmem:s25], [sflag:$0x1] =	stream.indirect_vreg.gather [hbm4b:s1+s3], $0x80, v3, vm0, $0xb8;
	[tilespmem:$0x18100] =	vst v63  }
0x3d: {  	_ = 	snop  }
0x3e: {  	[tilespmem:s26], [sflag:$0x1] =	stream.indirect_vreg.gather [hbm4b:s5+s3], $0x80, v3, vm0, $0xb8;
	[tilespmem:$0x18100] =	vst v63  }
0x3f: {  	_ = 	snop  }
0x40: {  	[tilespmem:s28], [sflag:$0x1] =	stream.indirect_vreg.gather [hbm4b:s6+s3], $0x80, v3, vm0, $0xb8;
	[tilespmem:$0x18100] =	vst v63  }
0x41: {  	v3 =	vld [tilespmem:$0xA0];
	_ =	sdelay $0x4  }
0x42: {  	v50 =	vshrl.u32 v3, $0x3  }
0x43: {  	v4 =	vmul.u32 $0x30, v50  }
0x44: {  	v3 =	vand.u32 $0x7, v3  }
0x45: {  	v3 =	vor.u32 v3, v4  }
0x46: {  	v4 =	vperm.xlane v3, v0;
	_ =	sdelay $0x1  }
0x47: {  	v4 =	vadd.s32 v1, v4;
	_ =	sdelay $0x3  }
0x48: {  	v3 =	vperm.xlane v3, v2  }
0x49: {  	[tilespmem:s29], [sflag:$0x1] =	stream.indirect_vreg.gather [hbm4b:s1+s3], $0x80, v4, vm0, $0xb8;
	[tilespmem:$0x18100] =	vst v63  }
0x4a: {  	v3 =	vadd.s32 v1, v3  }
0x4b: {  	[tilespmem:s30], [sflag:$0x1] =	stream.indirect_vreg.gather [hbm4b:s5+s3], $0x80, v4, vm0, $0xb8;
	[tilespmem:$0x18100] =	vst v63  }
0x4c: {  	_ = 	snop  }
0x4d: {  	[tilespmem:s31], [sflag:$0x1] =	stream.indirect_vreg.gather [hbm4b:s6+s3], $0x80, v4, vm0, $0xb8;
	[tilespmem:$0x18100] =	vst v63  }
0x4e: {  	s2 =	simm.s32 $0x7900  }
0x4f: {  	[tilespmem:s2], [sflag:$0x1] =	stream.indirect_vreg.gather [hbm4b:s1+s3], $0x80, v3, vm0, $0xb8;
	[tilespmem:$0x18100] =	vst v63  }
0x50: {  	s2 =	simm.s32 $0x8100  }
0x51: {  	[tilespmem:s2], [sflag:$0x1] =	stream.indirect_vreg.gather [hbm4b:s5+s3], $0x80, v3, vm0, $0xb8;
	[tilespmem:$0x18100] =	vst v63  }
0x52: {  	_ = 	snop  }
0x53: {  	[tilespmem:s11], [sflag:$0x1] =	stream.indirect_vreg.gather [hbm4b:s6+s3], $0x80, v3, vm0, $0xb8;
	[tilespmem:$0x18100] =	vst v63  }
0x54: {  	v3 =	vld [tilespmem:$0xB0];
	_ =	sdelay $0x4  }
0x55: {  	v51 =	vshrl.u32 v3, $0x3  }
0x56: {  	v4 =	vmul.u32 $0x30, v51  }
0x57: {  	v3 =	vand.u32 $0x7, v3  }
0x58: {  	v3 =	vor.u32 v3, v4  }
0x59: {  	v4 =	vperm.xlane v3, v0;
	_ =	sdelay $0x1  }
0x5a: {  	v4 =	vadd.s32 v1, v4;
	_ =	sdelay $0x3  }
0x5b: {  	v3 =	vperm.xlane v3, v2  }
0x5c: {  	[tilespmem:s12], [sflag:$0x1] =	stream.indirect_vreg.gather [hbm4b:s1+s3], $0x80, v4, vm0, $0xb8;
	[tilespmem:$0x18100] =	vst v63  }
0x5d: {  	v3 =	vadd.s32 v1, v3  }
0x5e: {  	[tilespmem:s13], [sflag:$0x1] =	stream.indirect_vreg.gather [hbm4b:s5+s3], $0x80, v4, vm0, $0xb8;
	[tilespmem:$0x18100] =	vst v63  }
0x5f: {  	_ = 	snop  }
0x60: {  	[tilespmem:s14], [sflag:$0x1] =	stream.indirect_vreg.gather [hbm4b:s6+s3], $0x80, v4, vm0, $0xb8;
	[tilespmem:$0x18100] =	vst v63  }
0x61: {  	_ = 	snop  }
0x62: {  	[tilespmem:s10], [sflag:$0x1] =	stream.indirect_vreg.gather [hbm4b:s1+s3], $0x80, v3, vm0, $0xb8;
	[tilespmem:$0x18100] =	vst v63  }
0x63: {  	s0 =	simm.s32 $0xB100  }
0x64: {  	[tilespmem:s0], [sflag:$0x1] =	stream.indirect_vreg.gather [hbm4b:s5+s3], $0x80, v3, vm0, $0xb8;
	[tilespmem:$0x18100] =	vst v63  }
0x65: {  	s0 =	simm.s32 $0xB900  }
0x66: {  	[tilespmem:s0], [sflag:$0x1] =	stream.indirect_vreg.gather [hbm4b:s6+s3], $0x80, v3, vm0, $0xb8;
	[tilespmem:$0x18100] =	vst v63  }
0x67: {  	v3 =	vld [tilespmem:$0xC0];
	_ =	sdelay $0x4  }
0x68: {  	v52 =	vshrl.u32 v3, $0x3  }
0x69: {  	v4 =	vmul.u32 $0x30, v52  }
0x6a: {  	v3 =	vand.u32 $0x7, v3  }
0x6b: {  	v3 =	vor.u32 v3, v4  }
0x6c: {  	v4 =	vperm.xlane v3, v0;
	_ =	sdelay $0x1  }
0x6d: {  	v4 =	vadd.s32 v1, v4;
	_ =	sdelay $0x3  }
0x6e: {  	s0 =	simm.s32 $0xC100;
	v3 =	vperm.xlane v3, v2  }
0x6f: {  	[tilespmem:s0], [sflag:$0x1] =	stream.indirect_vreg.gather [hbm4b:s1+s3], $0x80, v4, vm0, $0xb8;
	[tilespmem:$0x18100] =	vst v63  }
0x70: {  	v3 =	vadd.s32 v1, v3;
	s0 =	simm.s32 $0xC900  }
0x71: {  	[tilespmem:s0], [sflag:$0x1] =	stream.indirect_vreg.gather [hbm4b:s5+s3], $0x80, v4, vm0, $0xb8;
	[tilespmem:$0x18100] =	vst v63  }
0x72: {  	s0 =	simm.s32 $0xD100  }
0x73: {  	[tilespmem:s0], [sflag:$0x1] =	stream.indirect_vreg.gather [hbm4b:s6+s3], $0x80, v4, vm0, $0xb8;
	[tilespmem:$0x18100] =	vst v63  }
0x74: {  	s0 =	simm.s32 $0xD900  }
0x75: {  	[tilespmem:s0], [sflag:$0x1] =	stream.indirect_vreg.gather [hbm4b:s1+s3], $0x80, v3, vm0, $0xb8;
	[tilespmem:$0x18100] =	vst v63  }
0x76: {  	s0 =	simm.s32 $0xE100  }
0x77: {  	[tilespmem:s0], [sflag:$0x1] =	stream.indirect_vreg.gather [hbm4b:s5+s3], $0x80, v3, vm0, $0xb8;
	[tilespmem:$0x18100] =	vst v63  }
0x78: {  	s0 =	simm.s32 $0xE900  }
0x79: {  	[tilespmem:s0], [sflag:$0x1] =	stream.indirect_vreg.gather [hbm4b:s6+s3], $0x80, v3, vm0, $0xb8;
	[tilespmem:$0x18100] =	vst v63  }
0x7a: {  	v3 =	vld [tilespmem:$0xD0];
	_ =	sdelay $0x4  }
0x7b: {  	v53 =	vshrl.u32 v3, $0x3  }
0x7c: {  	v4 =	vmul.u32 $0x30, v53  }
0x7d: {  	v3 =	vand.u32 $0x7, v3  }
0x7e: {  	v3 =	vor.u32 v3, v4  }
0x7f: {  	v4 =	vperm.xlane v3, v0;
	_ =	sdelay $0x1  }
0x80: {  	v4 =	vadd.s32 v1, v4;
	_ =	sdelay $0x3  }
0x81: {  	s0 =	simm.s32 $0xF100;
	v3 =	vperm.xlane v3, v2  }
0x82: {  	[tilespmem:s0], [sflag:$0x1] =	stream.indirect_vreg.gather [hbm4b:s1+s3], $0x80, v4, vm0, $0xb8;
	[tilespmem:$0x18100] =	vst v63  }
0x83: {  	v3 =	vadd.s32 v1, v3;
	s0 =	simm.s32 $0xF900  }
0x84: {  	[tilespmem:s0], [sflag:$0x1] =	stream.indirect_vreg.gather [hbm4b:s5+s3], $0x80, v4, vm0, $0xb8;
	[tilespmem:$0x18100] =	vst v63  }
0x85: {  	s0 =	simm.s32 $0x10100  }
0x86: {  	[tilespmem:s0], [sflag:$0x1] =	stream.indirect_vreg.gather [hbm4b:s6+s3], $0x80, v4, vm0, $0xb8;
	[tilespmem:$0x18100] =	vst v63  }
0x87: {  	s0 =	simm.s32 $0x10900  }
0x88: {  	[tilespmem:s0], [sflag:$0x1] =	stream.indirect_vreg.gather [hbm4b:s1+s3], $0x80, v3, vm0, $0xb8;
	[tilespmem:$0x18100] =	vst v63  }
0x89: {  	s0 =	simm.s32 $0x11100  }
0x8a: {  	[tilespmem:s0], [sflag:$0x1] =	stream.indirect_vreg.gather [hbm4b:s5+s3], $0x80, v3, vm0, $0xb8;
	[tilespmem:$0x18100] =	vst v63  }
0x8b: {  	s0 =	simm.s32 $0x11900  }
0x8c: {  	[tilespmem:s0], [sflag:$0x1] =	stream.indirect_vreg.gather [hbm4b:s6+s3], $0x80, v3, vm0, $0xb8;
	[tilespmem:$0x18100] =	vst v63  }
0x8d: {  	v3 =	vld [tilespmem:$0xE0];
	_ =	sdelay $0x4  }
0x8e: {  	v54 =	vshrl.u32 v3, $0x3  }
0x8f: {  	v4 =	vmul.u32 $0x30, v54  }
0x90: {  	v3 =	vand.u32 $0x7, v3  }
0x91: {  	v3 =	vor.u32 v3, v4  }
0x92: {  	v4 =	vperm.xlane v3, v0;
	_ =	sdelay $0x1  }
0x93: {  	v4 =	vadd.s32 v1, v4;
	_ =	sdelay $0x3  }
0x94: {  	s0 =	simm.s32 $0x12100;
	v3 =	vperm.xlane v3, v2  }
0x95: {  	[tilespmem:s0], [sflag:$0x1] =	stream.indirect_vreg.gather [hbm4b:s1+s3], $0x80, v4, vm0, $0xb8;
	[tilespmem:$0x18100] =	vst v63  }
0x96: {  	v3 =	vadd.s32 v1, v3;
	s0 =	simm.s32 $0x12900  }
0x97: {  	[tilespmem:s0], [sflag:$0x1] =	stream.indirect_vreg.gather [hbm4b:s5+s3], $0x80, v4, vm0, $0xb8;
	[tilespmem:$0x18100] =	vst v63  }
0x98: {  	s0 =	simm.s32 $0x13100  }
0x99: {  	[tilespmem:s0], [sflag:$0x1] =	stream.indirect_vreg.gather [hbm4b:s6+s3], $0x80, v4, vm0, $0xb8;
	[tilespmem:$0x18100] =	vst v63  }
0x9a: {  	s0 =	simm.s32 $0x13900  }
0x9b: {  	[tilespmem:s0], [sflag:$0x1] =	stream.indirect_vreg.gather [hbm4b:s1+s3], $0x80, v3, vm0, $0xb8;
	[tilespmem:$0x18100] =	vst v63  }
0x9c: {  	s0 =	simm.s32 $0x14100  }
0x9d: {  	[tilespmem:s0], [sflag:$0x1] =	stream.indirect_vreg.gather [hbm4b:s5+s3], $0x80, v3, vm0, $0xb8;
	[tilespmem:$0x18100] =	vst v63  }
0x9e: {  	s0 =	simm.s32 $0x14900  }
0x9f: {  	[tilespmem:s0], [sflag:$0x1] =	stream.indirect_vreg.gather [hbm4b:s6+s3], $0x80, v3, vm0, $0xb8;
	[tilespmem:$0x18100] =	vst v63  }
0xa0: {  	v3 =	vld [tilespmem:$0xF0];
	_ =	sdelay $0x4  }
0xa1: {  	v55 =	vshrl.u32 v3, $0x3  }
0xa2: {  	v4 =	vmul.u32 $0x30, v55  }
0xa3: {  	v3 =	vand.u32 $0x7, v3  }
0xa4: {  	v3 =	vor.u32 v3, v4  }
0xa5: {  	v4 =	vperm.xlane v3, v0;
	_ =	sdelay $0x1  }
0xa6: {  	v4 =	vadd.s32 v1, v4;
	_ =	sdelay $0x3  }
0xa7: {  	s0 =	simm.s32 $0x15100;
	v3 =	vperm.xlane v3, v2  }
0xa8: {  	[tilespmem:s0], [sflag:$0x1] =	stream.indirect_vreg.gather [hbm4b:s1+s3], $0x80, v4, vm0, $0xb8;
	[tilespmem:$0x18100] =	vst v63  }
0xa9: {  	v3 =	vadd.s32 v1, v3;
	s0 =	simm.s32 $0x15900  }
0xaa: {  	[tilespmem:s0], [sflag:$0x1] =	stream.indirect_vreg.gather [hbm4b:s5+s3], $0x80, v4, vm0, $0xb8;
	[tilespmem:$0x18100] =	vst v63  }
0xab: {  	s0 =	simm.s32 $0x16100  }
0xac: {  	[tilespmem:s0], [sflag:$0x1] =	stream.indirect_vreg.gather [hbm4b:s6+s3], $0x80, v4, vm0, $0xb8;
	[tilespmem:$0x18100] =	vst v63  }
0xad: {  	s0 =	simm.s32 $0x16900  }
0xae: {  	[tilespmem:s0], [sflag:$0x1] =	stream.indirect_vreg.gather [hbm4b:s1+s3], $0x80, v3, vm0, $0xb8;
	[tilespmem:$0x18100] =	vst v63  }
0xaf: {  	s0 =	simm.s32 $0x17100  }
0xb0: {  	[tilespmem:s0], [sflag:$0x1] =	stream.indirect_vreg.gather [hbm4b:s5+s3], $0x80, v3, vm0, $0xb8;
	[tilespmem:$0x18100] =	vst v63  }
0xb1: {  	s0 =	simm.s32 $0x17900  }
0xb2: {  	[tilespmem:s0], [sflag:$0x1] =	stream.indirect_vreg.gather [hbm4b:s6+s3], $0x80, v3, vm0, $0xb8;
	[tilespmem:$0x18100] =	vst v63  }
0xb3: {  	_ =	swait.ge [sflag:s15], $0x18000  }
0xb4: {  	[sflag:s15] =	ssyncset.done $0x0  }
0xb5: {  	[sflag:s15] =	ssyncadd.s32 $0xFFFE8000  }
0xb6: {  	v3 =	vld [tilespmem:$0x0];
	_ =	sdelay $0x4  }
0xb7: {  	v56 =	vshrl.u32 v3, $0x3  }
0xb8: {  	v4 =	vmul.u32 $0x30, v56  }
0xb9: {  	v3 =	vand.u32 $0x7, v3  }
0xba: {  	v3 =	vor.u32 v3, v4  }
0xbb: {  	v4 =	vperm.xlane v3, v0;
	_ =	sdelay $0x1  }
0xbc: {  	v4 =	vadd.s32 v1, v4;
	_ =	sdelay $0x3  }
0xbd: {  	v3 =	vperm.xlane v3, v2  }
0xbe: {  	[hbm4b:s4+s3] =	stream.indirect_vreg.scatter [tilespmem:s16], [sflag:$0x1], $0x80, v4, vm0, $0xb8;
	[tilespmem:$0x18100] =	vst v63  }
0xbf: {  	v3 =	vadd.s32 v1, v3  }
0xc0: {  	[hbm4b:s7+s3] =	stream.indirect_vreg.scatter [tilespmem:s17], [sflag:$0x1], $0x80, v4, vm0, $0xb8;
	[tilespmem:$0x18100] =	vst v63  }
0xc1: {  	_ = 	snop  }
0xc2: {  	[hbm4b:s8+s3] =	stream.indirect_vreg.scatter [tilespmem:s18], [sflag:$0x1], $0x80, v4, vm0, $0xb8;
	[tilespmem:$0x18100] =	vst v63  }
0xc3: {  	_ = 	snop  }
0xc4: {  	[hbm4b:s4+s3] =	stream.indirect_vreg.scatter [tilespmem:s19], [sflag:$0x1], $0x80, v3, vm0, $0xb8;
	[tilespmem:$0x18100] =	vst v63  }
0xc5: {  	_ = 	snop  }
0xc6: {  	[hbm4b:s7+s3] =	stream.indirect_vreg.scatter [tilespmem:s20], [sflag:$0x1], $0x80, v3, vm0, $0xb8;
	[tilespmem:$0x18100] =	vst v63  }
0xc7: {  	_ = 	snop  }
0xc8: {  	[hbm4b:s8+s3] =	stream.indirect_vreg.scatter [tilespmem:s21], [sflag:$0x1], $0x80, v3, vm0, $0xb8;
	[tilespmem:$0x18100] =	vst v63  }
0xc9: {  	v3 =	vld [tilespmem:$0x10];
	_ =	sdelay $0x4  }
0xca: {  	v57 =	vshrl.u32 v3, $0x3  }
0xcb: {  	v4 =	vmul.u32 $0x30, v57  }
0xcc: {  	v3 =	vand.u32 $0x7, v3  }
0xcd: {  	v3 =	vor.u32 v3, v4  }
0xce: {  	v4 =	vperm.xlane v3, v0;
	_ =	sdelay $0x1  }
0xcf: {  	v4 =	vadd.s32 v1, v4;
	_ =	sdelay $0x3  }
0xd0: {  	v3 =	vperm.xlane v3, v2  }
0xd1: {  	[hbm4b:s4+s3] =	stream.indirect_vreg.scatter [tilespmem:s22], [sflag:$0x1], $0x80, v4, vm0, $0xb8;
	[tilespmem:$0x18100] =	vst v63  }
0xd2: {  	v3 =	vadd.s32 v1, v3  }
0xd3: {  	[hbm4b:s7+s3] =	stream.indirect_vreg.scatter [tilespmem:s23], [sflag:$0x1], $0x80, v4, vm0, $0xb8;
	[tilespmem:$0x18100] =	vst v63  }
0xd4: {  	_ = 	snop  }
0xd5: {  	[hbm4b:s8+s3] =	stream.indirect_vreg.scatter [tilespmem:s24], [sflag:$0x1], $0x80, v4, vm0, $0xb8;
	[tilespmem:$0x18100] =	vst v63  }
0xd6: {  	_ = 	snop  }
0xd7: {  	[hbm4b:s4+s3] =	stream.indirect_vreg.scatter [tilespmem:s25], [sflag:$0x1], $0x80, v3, vm0, $0xb8;
	[tilespmem:$0x18100] =	vst v63  }
0xd8: {  	_ = 	snop  }
0xd9: {  	[hbm4b:s7+s3] =	stream.indirect_vreg.scatter [tilespmem:s26], [sflag:$0x1], $0x80, v3, vm0, $0xb8;
	[tilespmem:$0x18100] =	vst v63  }
0xda: {  	_ = 	snop  }
0xdb: {  	[hbm4b:s8+s3] =	stream.indirect_vreg.scatter [tilespmem:s28], [sflag:$0x1], $0x80, v3, vm0, $0xb8;
	[tilespmem:$0x18100] =	vst v63  }
0xdc: {  	v3 =	vld [tilespmem:$0x20];
	_ =	sdelay $0x4  }
0xdd: {  	v58 =	vshrl.u32 v3, $0x3  }
0xde: {  	v4 =	vmul.u32 $0x30, v58  }
0xdf: {  	v3 =	vand.u32 $0x7, v3  }
0xe0: {  	v3 =	vor.u32 v3, v4  }
0xe1: {  	v4 =	vperm.xlane v3, v0;
	_ =	sdelay $0x1  }
0xe2: {  	v4 =	vadd.s32 v1, v4;
	_ =	sdelay $0x3  }
0xe3: {  	v3 =	vperm.xlane v3, v2  }
0xe4: {  	[hbm4b:s4+s3] =	stream.indirect_vreg.scatter [tilespmem:s29], [sflag:$0x1], $0x80, v4, vm0, $0xb8;
	[tilespmem:$0x18100] =	vst v63  }
0xe5: {  	v3 =	vadd.s32 v1, v3  }
0xe6: {  	[hbm4b:s7+s3] =	stream.indirect_vreg.scatter [tilespmem:s30], [sflag:$0x1], $0x80, v4, vm0, $0xb8;
	[tilespmem:$0x18100] =	vst v63  }
0xe7: {  	_ = 	snop  }
0xe8: {  	[hbm4b:s8+s3] =	stream.indirect_vreg.scatter [tilespmem:s31], [sflag:$0x1], $0x80, v4, vm0, $0xb8;
	[tilespmem:$0x18100] =	vst v63  }
0xe9: {  	s17 =	simm.s32 $0x7900  }
0xea: {  	[hbm4b:s4+s3] =	stream.indirect_vreg.scatter [tilespmem:s17], [sflag:$0x1], $0x80, v3, vm0, $0xb8;
	[tilespmem:$0x18100] =	vst v63  }
0xeb: {  	_ = 	snop  }
0xec: {  	[hbm4b:s7+s3] =	stream.indirect_vreg.scatter [tilespmem:s2], [sflag:$0x1], $0x80, v3, vm0, $0xb8;
	[tilespmem:$0x18100] =	vst v63  }
0xed: {  	_ = 	snop  }
0xee: {  	[hbm4b:s8+s3] =	stream.indirect_vreg.scatter [tilespmem:s11], [sflag:$0x1], $0x80, v3, vm0, $0xb8;
	[tilespmem:$0x18100] =	vst v63  }
0xef: {  	v3 =	vld [tilespmem:$0x30];
	_ =	sdelay $0x4  }
0xf0: {  	v59 =	vshrl.u32 v3, $0x3  }
0xf1: {  	v4 =	vmul.u32 $0x30, v59  }
0xf2: {  	v3 =	vand.u32 $0x7, v3  }
0xf3: {  	v3 =	vor.u32 v3, v4  }
0xf4: {  	v4 =	vperm.xlane v3, v0;
	_ =	sdelay $0x1  }
0xf5: {  	v4 =	vadd.s32 v1, v4;
	_ =	sdelay $0x3  }
0xf6: {  	v3 =	vperm.xlane v3, v2  }
0xf7: {  	[hbm4b:s4+s3] =	stream.indirect_vreg.scatter [tilespmem:s12], [sflag:$0x1], $0x80, v4, vm0, $0xb8;
	[tilespmem:$0x18100] =	vst v63  }
0xf8: {  	v3 =	vadd.s32 v1, v3  }
0xf9: {  	[hbm4b:s7+s3] =	stream.indirect_vreg.scatter [tilespmem:s13], [sflag:$0x1], $0x80, v4, vm0, $0xb8;
	[tilespmem:$0x18100] =	vst v63  }
0xfa: {  	_ = 	snop  }
0xfb: {  	[hbm4b:s8+s3] =	stream.indirect_vreg.scatter [tilespmem:s14], [sflag:$0x1], $0x80, v4, vm0, $0xb8;
	[tilespmem:$0x18100] =	vst v63  }
0xfc: {  	_ = 	snop  }
0xfd: {  	[hbm4b:s4+s3] =	stream.indirect_vreg.scatter [tilespmem:s10], [sflag:$0x1], $0x80, v3, vm0, $0xb8;
	[tilespmem:$0x18100] =	vst v63  }
0xfe: {  	s17 =	simm.s32 $0xB100  }
0xff: {  	[hbm4b:s7+s3] =	stream.indirect_vreg.scatter [tilespmem:s17], [sflag:$0x1], $0x80, v3, vm0, $0xb8;
	[tilespmem:$0x18100] =	vst v63  }
0x100: {  	s16 =	simm.s32 $0xB900  }
0x101: {  	[hbm4b:s8+s3] =	stream.indirect_vreg.scatter [tilespmem:s16], [sflag:$0x1], $0x80, v3, vm0, $0xb8;
	[tilespmem:$0x18100] =	vst v63  }
0x102: {  	v3 =	vld [tilespmem:$0x40];
	_ =	sdelay $0x4  }
0x103: {  	v60 =	vshrl.u32 v3, $0x3  }
0x104: {  	v4 =	vmul.u32 $0x30, v60  }
0x105: {  	v3 =	vand.u32 $0x7, v3  }
0x106: {  	v3 =	vor.u32 v3, v4  }
0x107: {  	v4 =	vperm.xlane v3, v0;
	_ =	sdelay $0x1  }
0x108: {  	v4 =	vadd.s32 v1, v4;
	_ =	sdelay $0x3  }
0x109: {  	s17 =	simm.s32 $0xC100;
	v3 =	vperm.xlane v3, v2  }
0x10a: {  	[hbm4b:s4+s3] =	stream.indirect_vreg.scatter [tilespmem:s17], [sflag:$0x1], $0x80, v4, vm0, $0xb8;
	[tilespmem:$0x18100] =	vst v63  }
0x10b: {  	s16 =	simm.s32 $0xC900;
	v3 =	vadd.s32 v1, v3  }
0x10c: {  	[hbm4b:s7+s3] =	stream.indirect_vreg.scatter [tilespmem:s16], [sflag:$0x1], $0x80, v4, vm0, $0xb8;
	[tilespmem:$0x18100] =	vst v63  }
0x10d: {  	s17 =	simm.s32 $0xD100  }
0x10e: {  	[hbm4b:s8+s3] =	stream.indirect_vreg.scatter [tilespmem:s17], [sflag:$0x1], $0x80, v4, vm0, $0xb8;
	[tilespmem:$0x18100] =	vst v63  }
0x10f: {  	s16 =	simm.s32 $0xD900  }
0x110: {  	[hbm4b:s4+s3] =	stream.indirect_vreg.scatter [tilespmem:s16], [sflag:$0x1], $0x80, v3, vm0, $0xb8;
	[tilespmem:$0x18100] =	vst v63  }
0x111: {  	s17 =	simm.s32 $0xE100  }
0x112: {  	[hbm4b:s7+s3] =	stream.indirect_vreg.scatter [tilespmem:s17], [sflag:$0x1], $0x80, v3, vm0, $0xb8;
	[tilespmem:$0x18100] =	vst v63  }
0x113: {  	s16 =	simm.s32 $0xE900  }
0x114: {  	[hbm4b:s8+s3] =	stream.indirect_vreg.scatter [tilespmem:s16], [sflag:$0x1], $0x80, v3, vm0, $0xb8;
	[tilespmem:$0x18100] =	vst v63  }
0x115: {  	v3 =	vld [tilespmem:$0x50];
	_ =	sdelay $0x4  }
0x116: {  	v61 =	vshrl.u32 v3, $0x3  }
0x117: {  	v4 =	vmul.u32 $0x30, v61  }
0x118: {  	v3 =	vand.u32 $0x7, v3  }
0x119: {  	v3 =	vor.u32 v3, v4  }
0x11a: {  	v4 =	vperm.xlane v3, v0;
	_ =	sdelay $0x1  }
0x11b: {  	v4 =	vadd.s32 v1, v4;
	_ =	sdelay $0x3  }
0x11c: {  	s17 =	simm.s32 $0xF100;
	v3 =	vperm.xlane v3, v2  }
0x11d: {  	[hbm4b:s4+s3] =	stream.indirect_vreg.scatter [tilespmem:s17], [sflag:$0x1], $0x80, v4, vm0, $0xb8;
	[tilespmem:$0x18100] =	vst v63  }
0x11e: {  	s16 =	simm.s32 $0xF900;
	v3 =	vadd.s32 v1, v3  }
0x11f: {  	[hbm4b:s7+s3] =	stream.indirect_vreg.scatter [tilespmem:s16], [sflag:$0x1], $0x80, v4, vm0, $0xb8;
	[tilespmem:$0x18100] =	vst v63  }
0x120: {  	s17 =	simm.s32 $0x10100  }
0x121: {  	[hbm4b:s8+s3] =	stream.indirect_vreg.scatter [tilespmem:s17], [sflag:$0x1], $0x80, v4, vm0, $0xb8;
	[tilespmem:$0x18100] =	vst v63  }
0x122: {  	s16 =	simm.s32 $0x10900  }
0x123: {  	[hbm4b:s4+s3] =	stream.indirect_vreg.scatter [tilespmem:s16], [sflag:$0x1], $0x80, v3, vm0, $0xb8;
	[tilespmem:$0x18100] =	vst v63  }
0x124: {  	s17 =	simm.s32 $0x11100  }
0x125: {  	[hbm4b:s7+s3] =	stream.indirect_vreg.scatter [tilespmem:s17], [sflag:$0x1], $0x80, v3, vm0, $0xb8;
	[tilespmem:$0x18100] =	vst v63  }
0x126: {  	s16 =	simm.s32 $0x11900  }
0x127: {  	[hbm4b:s8+s3] =	stream.indirect_vreg.scatter [tilespmem:s16], [sflag:$0x1], $0x80, v3, vm0, $0xb8;
	[tilespmem:$0x18100] =	vst v63  }
0x128: {  	v3 =	vld [tilespmem:$0x60];
	_ =	sdelay $0x4  }
0x129: {  	v62 =	vshrl.u32 v3, $0x3  }
0x12a: {  	v4 =	vmul.u32 $0x30, v62  }
0x12b: {  	v3 =	vand.u32 $0x7, v3  }
0x12c: {  	v3 =	vor.u32 v3, v4  }
0x12d: {  	v4 =	vperm.xlane v3, v0;
	_ =	sdelay $0x1  }
0x12e: {  	v4 =	vadd.s32 v1, v4;
	_ =	sdelay $0x3  }
0x12f: {  	s17 =	simm.s32 $0x12100;
	v3 =	vperm.xlane v3, v2  }
0x130: {  	[hbm4b:s4+s3] =	stream.indirect_vreg.scatter [tilespmem:s17], [sflag:$0x1], $0x80, v4, vm0, $0xb8;
	[tilespmem:$0x18100] =	vst v63  }
0x131: {  	s16 =	simm.s32 $0x12900;
	v3 =	vadd.s32 v1, v3  }
0x132: {  	[hbm4b:s7+s3] =	stream.indirect_vreg.scatter [tilespmem:s16], [sflag:$0x1], $0x80, v4, vm0, $0xb8;
	[tilespmem:$0x18100] =	vst v63  }
0x133: {  	s17 =	simm.s32 $0x13100  }
0x134: {  	[hbm4b:s8+s3] =	stream.indirect_vreg.scatter [tilespmem:s17], [sflag:$0x1], $0x80, v4, vm0, $0xb8;
	[tilespmem:$0x18100] =	vst v63  }
0x135: {  	s16 =	simm.s32 $0x13900  }
0x136: {  	[hbm4b:s4+s3] =	stream.indirect_vreg.scatter [tilespmem:s16], [sflag:$0x1], $0x80, v3, vm0, $0xb8;
	[tilespmem:$0x18100] =	vst v63  }
0x137: {  	s17 =	simm.s32 $0x14100  }
0x138: {  	[hbm4b:s7+s3] =	stream.indirect_vreg.scatter [tilespmem:s17], [sflag:$0x1], $0x80, v3, vm0, $0xb8;
	[tilespmem:$0x18100] =	vst v63  }
0x139: {  	s16 =	simm.s32 $0x14900  }
0x13a: {  	[hbm4b:s8+s3] =	stream.indirect_vreg.scatter [tilespmem:s16], [sflag:$0x1], $0x80, v3, vm0, $0xb8;
	[tilespmem:$0x18100] =	vst v63  }
0x13b: {  	v3 =	vld [tilespmem:$0x70];
	_ =	sdelay $0x4  }
0x13c: {  	v63 =	vshrl.u32 v3, $0x3  }
0x13d: {  	v4 =	vmul.u32 $0x30, v63  }
0x13e: {  	v3 =	vand.u32 $0x7, v3  }
0x13f: {  	v3 =	vor.u32 v3, v4  }
0x140: {  	v4 =	vperm.xlane v3, v0;
	_ =	sdelay $0x1  }
0x141: {  	v4 =	vadd.s32 v1, v4;
	_ =	sdelay $0x3  }
0x142: {  	s17 =	simm.s32 $0x15100;
	v3 =	vperm.xlane v3, v2  }
0x143: {  	[hbm4b:s4+s3] =	stream.indirect_vreg.scatter [tilespmem:s17], [sflag:$0x1], $0x80, v4, vm0, $0xb8;
	[tilespmem:$0x18100] =	vst v63  }
0x144: {  	s16 =	simm.s32 $0x15900;
	v3 =	vadd.s32 v1, v3  }
0x145: {  	[hbm4b:s7+s3] =	stream.indirect_vreg.scatter [tilespmem:s16], [sflag:$0x1], $0x80, v4, vm0, $0xb8;
	[tilespmem:$0x18100] =	vst v63  }
0x146: {  	s17 =	simm.s32 $0x16100  }
0x147: {  	[hbm4b:s8+s3] =	stream.indirect_vreg.scatter [tilespmem:s17], [sflag:$0x1], $0x80, v4, vm0, $0xb8;
	[tilespmem:$0x18100] =	vst v63  }
0x148: {  	s16 =	simm.s32 $0x16900  }
0x149: {  	[hbm4b:s4+s3] =	stream.indirect_vreg.scatter [tilespmem:s16], [sflag:$0x1], $0x80, v3, vm0, $0xb8;
	[tilespmem:$0x18100] =	vst v63  }
0x14a: {  	p0 =	sne.s32 s9, $0x1;
	s17 =	simm.s32 $0x17100  }
0x14b: {  	[hbm4b:s7+s3] =	stream.indirect_vreg.scatter [tilespmem:s17], [sflag:$0x1], $0x80, v3, vm0, $0xb8;
	[tilespmem:$0x18100] =	vst v63  }
.Ltmp0:
0x14c: {  	_ = 	snop;
	(pc) =	sbr.rel @p0 .LBB2_1-.Ltmp0, $4  }
0x14d: {  	[hbm4b:s8+s3] =	stream.indirect_vreg.scatter [tilespmem:s0], [sflag:$0x1], $0x80, v3, vm0, $0xb8;
	[tilespmem:$0x18100] =	vst v63  }
0x14e: {  	_ =	swait.ge [sflag:s15], $0x18000  }
0x14f: {  	[sflag:s15] =	ssyncset.done $0x0  }
0x150: {  	s9 =	sadd.s32 $0xFFFFFFFF, s9;
	[sflag:s15] =	ssyncadd.s32 $0xFFFE8000  }
0x151: {  	_ =	sfence.sel $0x180000  }
0x152: {  	[bflag:$0x0] =	sbarrier.arrive $0xFFFF  }
0x153: {  	_ =	strace $0x90000047  }
0x154: {  	s0 =	stileid.u32;
	[bflag:$0x2] =	sbarrier.arrive $0xFFFF  }
0x155: {  	p0 =	sne.s32 s0, $0x0;
	s0 =	rddreg [dreg:$0x3]  }
0x156: {  	s0 =	sadd.s32 @!p0 $0x100000, s0  }
0x157: {  	[sflag:s0] =	ssyncadd.tile.s32 @!p0 $0x1;
	_ =	shalt  }
.Lfunc_end2:
_tile_overlayer_lowered:
.L_overlay_start_2:
0x158: {  	(tag) =	ssettag $0x2  }
0x159: {  	s0 =	rddreg [dreg:$0x0];
	s2 =	stileid.u32  }
0x15a: {  	s1 =	rddreg [dreg:$0x1];
	p0 =	sne.s32 s2, $0x0  }
0x15b: {  	s3 =	rddreg [dreg:$0x2];
	[bflag:$0x3] =	sbarrier.arrive $0xFFFF;
	s2 =	simm.s32 @!p0 $0x1C02  }
0x15c: {  	[timem:s3], [sflag:s2] =	dma.local @!p0 [hbm:s0], s1  }
0x15d: {  	s0 =	simm.s32 @!p0 $0x2  }
0x15e: {  	_ =	swait.ge @!p0 [sflag:s0], s1  }
0x15f: {  	s1 =	ssub.s32 @!p0 $0x0, s1;
	[sflag:s0] =	ssyncset.done @!p0 $0x0  }
0x160: {  	[sflag:s0] =	ssyncadd.s32 @!p0 s1  }
0x161: {  	[bflag:$0x3] =	sbarrier.arrive $0xFFFF  }
0x162: {  	_ =	shalt  }

</sc_bundles>
